<compile_context>
chip_gen: v7x
topology: tpu7x:2x2x1
jax: 0.10.2.dev20260603
libtpu: 0.0.44.dev20260713+nightly
codegen_flags: <defaults>
</compile_context>

<pallas_src>
import functools

import jax
import jax.numpy as jnp
from jax import lax
from jax.experimental import pallas as pl
from jax.experimental.pallas import tpu as pltpu
from jax.experimental.pallas import tpu_sc as plsc

N = 10000
E = 320000
D_IN = 128
H = 16
C = 16

NC = 2
NS = 16
NW = NC * NS
EPW = E // NW
CHUNK = 80
NCHUNK = EPW // CHUNK
NPAD = 10240
RPT = NPAD // NS
F32 = jnp.float32

_sc_mesh = plsc.VectorSubcoreMesh(core_axis_name="c", subcore_axis_name="s")
_sc_params = pltpu.CompilerParams(needs_layout_passes=False, use_tc_tiling_on_sc=False)



@functools.partial(
    pl.kernel,
    mesh=_sc_mesh,
    out_type=jax.ShapeDtypeStruct((NW, N), F32),
    compiler_params=_sc_params,
    scratch_types=[
        pltpu.VMEM((EPW,), jnp.int32),
        pltpu.VMEM((N,), F32),
    ],
)
def _sc_degree(dst_hbm, out_hbm, dstv, degv):
    wid = lax.axis_index("s") * NC + lax.axis_index("c")
    pltpu.sync_copy(dst_hbm.at[wid], dstv)
    zeros = jnp.zeros((16,), F32)
    ones = jnp.ones((16,), F32)

    def zbody(i, _):
        degv[pl.ds(i * 16, 16)] = zeros
        return 0

    lax.fori_loop(0, N // 16, zbody, 0)

    def body(i, _):
        idx = dstv[pl.ds(i * 16, 16)]
        plsc.addupdate_scatter(degv, [idx], ones)
        return 0

    lax.fori_loop(0, EPW // 16, body, 0)
    pltpu.sync_copy(degv, out_hbm.at[wid])


@functools.partial(
    pl.kernel,
    mesh=_sc_mesh,
    out_type=jax.ShapeDtypeStruct((NC, NPAD, H), F32),
    compiler_params=_sc_params,
    scratch_types=[
        pltpu.VMEM((NCHUNK, CHUNK), jnp.int32),
        pltpu.VMEM((NCHUNK, CHUNK), jnp.int32),
        pltpu.VMEM((CHUNK, H), F32),
        pltpu.VMEM((RPT, H), F32),
        pltpu.VMEM_SHARED((NPAD, H), F32),
        pltpu.SemaphoreType.DMA,
    ],
)
def _sc_message(y_hbm, src_hbm, dst_hbm, out_hbm, srcv, dstv, rows, slab, acc, sem):
    cid = lax.axis_index("c")
    sid = lax.axis_index("s")
    wid = sid * NC + cid
    zeros = jnp.zeros((16,), F32)

    def zbody(i, _):
        slab[i, :] = zeros
        return 0

    lax.fori_loop(0, RPT, zbody, 0)
    pltpu.sync_copy(slab, acc.at[pl.ds(sid * RPT, RPT)])
    plsc.subcore_barrier()

    pltpu.sync_copy(src_hbm.at[wid], srcv)
    pltpu.sync_copy(dst_hbm.at[wid], dstv)

    def body(j, _):
        pltpu.async_copy(y_hbm.at[srcv.at[j]], rows, sem).wait()
        pltpu.sync_copy(rows, acc.at[dstv.at[j]], add=True)
        return 0

    lax.fori_loop(0, NCHUNK, body, 0)
    plsc.subcore_barrier()

    pltpu.sync_copy(acc.at[pl.ds(sid * RPT, RPT)], slab)
    pltpu.sync_copy(slab, out_hbm.at[cid, pl.ds(sid * RPT, RPT)])


@functools.partial(
    pl.kernel,
    mesh=_sc_mesh,
    out_type=jax.ShapeDtypeStruct((E, H), F32),
    compiler_params=_sc_params,
    scratch_types=[
        pltpu.VMEM((NCHUNK, CHUNK), jnp.int32),
        pltpu.VMEM((NCHUNK, CHUNK), jnp.int32),
        pltpu.VMEM((CHUNK, H), F32),
        pltpu.VMEM((CHUNK, H), F32),
        pltpu.SemaphoreType.DMA,
        pltpu.SemaphoreType.DMA,
    ],
)
def _sc_edge_sum(a_hbm, b_hbm, src_hbm, dst_hbm, out_hbm, srcv, dstv, ra, rb, sa, sb):
    wid = lax.axis_index("s") * NC + lax.axis_index("c")
    base = wid * EPW
    pltpu.sync_copy(src_hbm.at[wid], srcv)
    pltpu.sync_copy(dst_hbm.at[wid], dstv)

    def body(j, _):
        ca = pltpu.async_copy(a_hbm.at[srcv.at[j]], ra, sa)
        cb = pltpu.async_copy(b_hbm.at[dstv.at[j]], rb, sb)
        ca.wait()
        cb.wait()

        def add_body(r, _):
            ra[r, :] = ra[r, :] + rb[r, :]
            return 0

        lax.fori_loop(0, CHUNK, add_body, 0)
        pltpu.sync_copy(ra, out_hbm.at[pl.ds(base + j * CHUNK, CHUNK)])
        return 0

    lax.fori_loop(0, NCHUNK, body, 0)



def _tc_prep_body(x_ref, w1_ref, degp_ref, dinv_ref, y1_ref):
    xw = jnp.dot(x_ref[...], w1_ref[...], preferred_element_type=F32)
    deg = jnp.sum(degp_ref[...], axis=0) + 1.0
    d16 = jnp.broadcast_to(lax.rsqrt(deg)[:, None], (N, H))
    dinv_ref[...] = d16
    y1_ref[...] = d16 * xw


_tc_prep = pl.pallas_call(
    _tc_prep_body,
    out_shape=[jax.ShapeDtypeStruct((N, H), F32), jax.ShapeDtypeStruct((N, H), F32)],
)


def _tc_mid_body(mp_ref, y_ref, dinv_ref, b_ref, w_ref, out_ref):
    m = mp_ref[0, :N, :] + mp_ref[1, :N, :] + y_ref[...]
    h = jnp.maximum(dinv_ref[...] * m + b_ref[...], 0.0)
    out_ref[...] = dinv_ref[...] * jnp.dot(h, w_ref[...], preferred_element_type=F32)


_tc_mid = pl.pallas_call(
    _tc_mid_body,
    out_shape=jax.ShapeDtypeStruct((N, H), F32),
)


def _tc_post_body(mp_ref, y_ref, dinv_ref, b_ref, wf1_ref, bf1_ref, a_ref, bb_ref):
    m = mp_ref[0, :N, :] + mp_ref[1, :N, :] + y_ref[...]
    h = jnp.maximum(dinv_ref[...] * m + b_ref[...], 0.0)
    a_ref[...] = jnp.dot(h, wf1_ref[:H, :], preferred_element_type=F32) + bf1_ref[...]
    bb_ref[...] = jnp.dot(h, wf1_ref[H:, :], preferred_element_type=F32)


_tc_post = pl.pallas_call(
    _tc_post_body,
    out_shape=[jax.ShapeDtypeStruct((N, H), F32), jax.ShapeDtypeStruct((N, H), F32)],
)


_EBLK = 4000


def _tc_final_body(s_ref, wf2_ref, bf2_ref, out_ref):
    ef = jnp.maximum(s_ref[...], 0.0)
    z = jnp.dot(ef, wf2_ref[...], preferred_element_type=F32) + bf2_ref[...]
    z = z - jnp.max(z, axis=1, keepdims=True)
    out_ref[...] = z - jnp.log(jnp.sum(jnp.exp(z), axis=1, keepdims=True))


_tc_final = pl.pallas_call(
    _tc_final_body,
    grid=(E // _EBLK,),
    in_specs=[
        pl.BlockSpec((_EBLK, H), lambda i: (i, 0)),
        pl.BlockSpec((H, C), lambda i: (0, 0)),
        pl.BlockSpec((1, C), lambda i: (0, 0)),
    ],
    out_specs=pl.BlockSpec((_EBLK, C), lambda i: (i, 0)),
    out_shape=jax.ShapeDtypeStruct((E, C), F32),
)



def kernel(x, edge_index, edge_attr, W1, b1, W2, b2, Wf1, bf1, Wf2, bf2):
    src3 = edge_index[0].reshape(NW, NCHUNK, CHUNK)
    dst3 = edge_index[1].reshape(NW, NCHUNK, CHUNK)
    dst2 = edge_index[1].reshape(NW, EPW)

    degp = _sc_degree(dst2)
    dinv16, y1 = _tc_prep(x, W1, degp)
    m1 = _sc_message(y1, src3, dst3)
    y2 = _tc_mid(m1, y1, dinv16, b1.reshape(1, H), W2)
    m2 = _sc_message(y2, src3, dst3)
    A, B = _tc_post(m2, y2, dinv16, b2.reshape(1, H), Wf1, bf1.reshape(1, H))
    S = _sc_edge_sum(A, B, src3, dst3)
    return _tc_final(S, Wf2, bf2.reshape(1, C))

# --- scband reference (transcript-rebuilt; emitter-appended) ---
"""Pipeline reference for scband-gcn2-67551245631648 (READ-ONLY COPY).

The authoritative reference and input builder live on the scoring server;
editing this copy changes nothing except your own understanding.
"""

import jax, jax.numpy as jnp
import numpy as np

N = 10000
E = 320000
D_IN = 128
H = 16
C = 16


def setup_inputs(seed: int = 0):
    key = jax.random.key(seed)
    ks = jax.random.split(key, 12)
    x = jax.random.normal(ks[0], (N, D_IN), dtype=jnp.float32)
    edge_index = jax.random.randint(ks[1], (2, E), 0, N, dtype=jnp.int32)
    edge_attr = jax.random.normal(ks[2], (E, 4), dtype=jnp.float32)
    W1 = jax.random.normal(ks[3], (D_IN, H), dtype=jnp.float32) * (1.0 / np.sqrt(D_IN))
    b1 = jnp.zeros((H,), dtype=jnp.float32)
    W2 = jax.random.normal(ks[4], (H, H), dtype=jnp.float32) * (1.0 / np.sqrt(H))
    b2 = jnp.zeros((H,), dtype=jnp.float32)
    Wf1 = jax.random.normal(ks[5], (2 * H, H), dtype=jnp.float32) * (1.0 / np.sqrt(2 * H))
    bf1 = jnp.zeros((H,), dtype=jnp.float32)
    Wf2 = jax.random.normal(ks[6], (H, C), dtype=jnp.float32) * (1.0 / np.sqrt(H))
    bf2 = jnp.zeros((C,), dtype=jnp.float32)
    return {"x": x, "edge_index": edge_index, "edge_attr": edge_attr,
            "W1": W1, "b1": b1, "W2": W2, "b2": b2,
            "Wf1": Wf1, "bf1": bf1, "Wf2": Wf2, "bf2": bf2}


def gcn_conv(x, edge_index, W, b):
    # PyG GCNConv: x @ W, add self-loops, symmetric deg^-1/2 normalization, scatter-add, + bias
    xw = x @ W
    loop = jnp.arange(N, dtype=edge_index.dtype)
    src = jnp.concatenate([edge_index[0], loop])
    dst = jnp.concatenate([edge_index[1], loop])
    deg = jnp.zeros((N,), dtype=xw.dtype).at[dst].add(1.0)
    dinv = jnp.where(deg > 0, 1.0 / jnp.sqrt(deg), 0.0)
    norm = dinv[src] * dinv[dst]
    out = jnp.zeros_like(xw).at[dst].add(norm[:, None] * xw[src])
    return out + b


def reference(x, edge_index, edge_attr, W1, b1, W2, b2, Wf1, bf1, Wf2, bf2):
    h = jax.nn.relu(gcn_conv(x, edge_index, W1, b1))
    h = jax.nn.relu(gcn_conv(h, edge_index, W2, b2))
    edge_features = jnp.concatenate([h[edge_index[0]], h[edge_index[1]]], axis=1)
    edge_features = jax.nn.relu(edge_features @ Wf1 + bf1)
    out = edge_features @ Wf2 + bf2
    return jax.nn.log_softmax(out, axis=1)

if __name__ == "__main__":
    import jax
    _d = setup_inputs()
    print(jax.jit(kernel)(*tuple(_d.values())))

</pallas_src>

<mosaic_0001>
#map = affine_map<(d0, d1) -> (0, 0)>
module attributes {stable_mosaic.version = 14 : i64} {
  func.func @_sc_degree(%arg0: i32, %arg1: i32, %arg2: memref<32x10000xi32, #tpu.memory_space<hbm>>, %arg3: memref<32x10000xf32, #tpu.memory_space<hbm>>, %arg4: memref<10000xi32, #tpu.memory_space<vmem>>, %arg5: memref<10000xf32, #tpu.memory_space<vmem>>) attributes {dimension_semantics = [#tpu.dimension_semantics<core_parallel>, #tpu.dimension_semantics<subcore_parallel>], iteration_bounds = array<i64: 2, 16>, scalar_prefetch = 0 : i64, scratch_operands = 2 : i64, tpu.core_type = #tpu.core_type<sc_vector_subcore>, window_params = [{transform_indices = #map}, {transform_indices = #map}]} {
    %mul3A = arith.constant 2 : i32
    %mul3A_0 = arith.muli %arg1, %mul3A : i32
    %add3A = arith.addi %mul3A_0, %arg0 : i32
    "tpu.region"() ({
      %run_scoped3A = tpu.sem_alloc : memref<!tpu.dma_semaphore, #tpu.memory_space<semaphore_mem>>
      %dma_start3A = arith.constant 0 : i32
      %dma_start3A_17 = tpu.memref_slice %arg2[%add3A, %dma_start3A] : memref<32x10000xi32, #tpu.memory_space<hbm>> -> memref<1x10000xi32, #tpu.memory_space<hbm>>
      %dma_start3A_18 = tpu.memref_squeeze %dma_start3A_17 : memref<1x10000xi32, #tpu.memory_space<hbm>> -> memref<10000xi32, #tpu.memory_space<hbm>>
      %dma_start3A_19 = arith.constant 0 : i32
      %dma_start3A_20 = tpu.memref_slice %arg2[%add3A, %dma_start3A_19] : memref<32x10000xi32, #tpu.memory_space<hbm>> -> memref<1x10000xi32, #tpu.memory_space<hbm>>
      %dma_start3A_21 = tpu.memref_squeeze %dma_start3A_20 : memref<1x10000xi32, #tpu.memory_space<hbm>> -> memref<10000xi32, #tpu.memory_space<hbm>>
      tpu.enqueue_dma source(%dma_start3A_21 : memref<10000xi32, #tpu.memory_space<hbm>>) target(%arg4 : memref<10000xi32, #tpu.memory_space<vmem>>) target_semaphore(%run_scoped3A : memref<!tpu.dma_semaphore, #tpu.memory_space<semaphore_mem>>)
      %dma_wait3A = arith.constant 0 : i32
      %dma_wait3A_22 = tpu.memref_slice %arg2[%add3A, %dma_wait3A] : memref<32x10000xi32, #tpu.memory_space<hbm>> -> memref<1x10000xi32, #tpu.memory_space<hbm>>
      %dma_wait3A_23 = tpu.memref_squeeze %dma_wait3A_22 : memref<1x10000xi32, #tpu.memory_space<hbm>> -> memref<10000xi32, #tpu.memory_space<hbm>>
      %dma_wait3A_24 = arith.constant 0 : i32
      %dma_wait3A_25 = tpu.memref_slice %arg2[%add3A, %dma_wait3A_24] : memref<32x10000xi32, #tpu.memory_space<hbm>> -> memref<1x10000xi32, #tpu.memory_space<hbm>>
      %dma_wait3A_26 = tpu.memref_squeeze %dma_wait3A_25 : memref<1x10000xi32, #tpu.memory_space<hbm>> -> memref<10000xi32, #tpu.memory_space<hbm>>
      tpu.wait_dma2 semaphore(%run_scoped3A : memref<!tpu.dma_semaphore, #tpu.memory_space<semaphore_mem>>) src(%dma_wait3A_26 : memref<10000xi32, #tpu.memory_space<hbm>>) dst(%arg4 : memref<10000xi32, #tpu.memory_space<vmem>>)
      tpu.yield
    }) : () -> ()
    %broadcast_in_dim3A = arith.constant 0.000000e+00 : f32
    %broadcast_in_dim3A_1 = vector.broadcast %broadcast_in_dim3A : f32 to vector<16xf32>
    %broadcast_in_dim3A_2 = arith.constant 1.000000e+00 : f32
    %broadcast_in_dim3A_3 = vector.broadcast %broadcast_in_dim3A_2 : f32 to vector<16xf32>
    %scan3A = arith.constant 0 : i32
    %scan3A_4 = arith.constant 0 : i32
    %scan3A_5 = arith.constant 625 : i32
    %scan3A_6 = arith.addi %scan3A_4, %scan3A_5 : i32
    %scan3A_7 = arith.constant 1 : i32
    %scan3A_8 = scf.for %scan3A_17 = %scan3A_4 to %scan3A_6 step %scan3A_7 iter_args(%scan3A_18 = %scan3A) -> (i32)  : i32 {
      %mul3A_19 = arith.constant 16 : i32
      %mul3A_20 = arith.muli %scan3A_17, %mul3A_19 : i32
      %swap3A = arith.index_cast %mul3A_20 : i32 to index
      %swap3A_21 = tpu.vector_load %arg5[%swap3A] {strides = array<i32>} : memref<10000xf32, #tpu.memory_space<vmem>>, vector<16xf32>,
      tpu.vector_store %arg5[%swap3A], %broadcast_in_dim3A_1 {strides = array<i32>} : memref<10000xf32, #tpu.memory_space<vmem>>, vector<16xf32>,
      %scan3A_22 = arith.constant 0 : i32
      scf.yield %scan3A_22 : i32
    }
    %scan3A_9 = arith.constant 625 : i32
    %scan3A_10 = arith.constant 0 : i32
    %scan3A_11 = arith.constant 0 : i32
    %scan3A_12 = arith.constant 625 : i32
    %scan3A_13 = arith.addi %scan3A_11, %scan3A_12 : i32
    %scan3A_14 = arith.constant 1 : i32
    %scan3A_15 = scf.for %scan3A_17 = %scan3A_11 to %scan3A_13 step %scan3A_14 iter_args(%scan3A_18 = %scan3A_10) -> (i32)  : i32 {
      %mul3A_19 = arith.constant 16 : i32
      %mul3A_20 = arith.muli %scan3A_17, %mul3A_19 : i32
      %get3A = arith.index_cast %mul3A_20 : i32 to index
      %get3A_21 = tpu.vector_load %arg4[%get3A] {strides = array<i32>} : memref<10000xi32, #tpu.memory_space<vmem>>, vector<16xi32>,
      tpu.vector_store_idx %arg5[%get3A_21], %broadcast_in_dim3A_3 {add = true} : memref<10000xf32, #tpu.memory_space<vmem>>[vector<16xi32>], vector<16xf32>,
      %scan3A_22 = arith.constant 0 : i32
      scf.yield %scan3A_22 : i32
    }
    %scan3A_16 = arith.constant 625 : i32
    "tpu.region"() ({
      %run_scoped3A = tpu.sem_alloc : memref<!tpu.dma_semaphore, #tpu.memory_space<semaphore_mem>>
      %dma_start3A = arith.constant 0 : i32
      %dma_start3A_17 = tpu.memref_slice %arg3[%add3A, %dma_start3A] : memref<32x10000xf32, #tpu.memory_space<hbm>> -> memref<1x10000xf32, #tpu.memory_space<hbm>>
      %dma_start3A_18 = tpu.memref_squeeze %dma_start3A_17 : memref<1x10000xf32, #tpu.memory_space<hbm>> -> memref<10000xf32, #tpu.memory_space<hbm>>
      %dma_start3A_19 = arith.constant 0 : i32
      %dma_start3A_20 = tpu.memref_slice %arg3[%add3A, %dma_start3A_19] : memref<32x10000xf32, #tpu.memory_space<hbm>> -> memref<1x10000xf32, #tpu.memory_space<hbm>>
      %dma_start3A_21 = tpu.memref_squeeze %dma_start3A_20 : memref<1x10000xf32, #tpu.memory_space<hbm>> -> memref<10000xf32, #tpu.memory_space<hbm>>
      tpu.enqueue_dma source(%arg5 : memref<10000xf32, #tpu.memory_space<vmem>>) target(%dma_start3A_21 : memref<10000xf32, #tpu.memory_space<hbm>>) target_semaphore(%run_scoped3A : memref<!tpu.dma_semaphore, #tpu.memory_space<semaphore_mem>>)
      %dma_wait3A = arith.constant 0 : i32
      %dma_wait3A_22 = tpu.memref_slice %arg3[%add3A, %dma_wait3A] : memref<32x10000xf32, #tpu.memory_space<hbm>> -> memref<1x10000xf32, #tpu.memory_space<hbm>>
      %dma_wait3A_23 = tpu.memref_squeeze %dma_wait3A_22 : memref<1x10000xf32, #tpu.memory_space<hbm>> -> memref<10000xf32, #tpu.memory_space<hbm>>
      %dma_wait3A_24 = arith.constant 0 : i32
      %dma_wait3A_25 = tpu.memref_slice %arg3[%add3A, %dma_wait3A_24] : memref<32x10000xf32, #tpu.memory_space<hbm>> -> memref<1x10000xf32, #tpu.memory_space<hbm>>
      %dma_wait3A_26 = tpu.memref_squeeze %dma_wait3A_25 : memref<1x10000xf32, #tpu.memory_space<hbm>> -> memref<10000xf32, #tpu.memory_space<hbm>>
      tpu.wait_dma2 semaphore(%run_scoped3A : memref<!tpu.dma_semaphore, #tpu.memory_space<semaphore_mem>>) src(%arg5 : memref<10000xf32, #tpu.memory_space<vmem>>) dst(%dma_wait3A_26 : memref<10000xf32, #tpu.memory_space<hbm>>)
      tpu.yield
    }) : () -> ()
    return
  }
}

#map = affine_map<(d0, d1) -> (0, 0)>
#map1 = affine_map<(d0, d1) -> (0, 0, 0)>
module attributes {stable_mosaic.version = 14 : i64} {
  func.func @_sc_message(%arg0: i32, %arg1: i32, %arg2: memref<10000x16xf32, #tpu.memory_space<hbm>>, %arg3: memref<32x125x80xi32, #tpu.memory_space<hbm>>, %arg4: memref<32x125x80xi32, #tpu.memory_space<hbm>>, %arg5: memref<2x10240x16xf32, #tpu.memory_space<hbm>>, %arg6: memref<125x80xi32, #tpu.memory_space<vmem>>, %arg7: memref<125x80xi32, #tpu.memory_space<vmem>>, %arg8: memref<80x16xf32, #tpu.memory_space<vmem>>, %arg9: memref<640x16xf32, #tpu.memory_space<vmem>>, %arg10: memref<10240x16xf32, #tpu.memory_space<vmem_shared>>, %arg11: memref<!tpu.dma_semaphore, #tpu.memory_space<semaphore_mem>>) attributes {dimension_semantics = [#tpu.dimension_semantics<core_parallel>, #tpu.dimension_semantics<subcore_parallel>], iteration_bounds = array<i64: 2, 16>, scalar_prefetch = 0 : i64, scratch_operands = 6 : i64, tpu.core_type = #tpu.core_type<sc_vector_subcore>, window_params = [{transform_indices = #map}, {transform_indices = #map1}, {transform_indices = #map1}, {transform_indices = #map1}]} {
    %mul3A = arith.constant 2 : i32
    %mul3A_0 = arith.muli %arg1, %mul3A : i32
    %add3A = arith.addi %mul3A_0, %arg0 : i32
    %broadcast_in_dim3A = arith.constant 0.000000e+00 : f32
    %broadcast_in_dim3A_1 = vector.broadcast %broadcast_in_dim3A : f32 to vector<16xf32>
    %scan3A = arith.constant 0 : i32
    %scan3A_2 = arith.constant 0 : i32
    %scan3A_3 = arith.constant 640 : i32
    %scan3A_4 = arith.addi %scan3A_2, %scan3A_3 : i32
    %scan3A_5 = arith.constant 1 : i32
    %scan3A_6 = scf.for %scan3A_22 = %scan3A_2 to %scan3A_4 step %scan3A_5 iter_args(%scan3A_23 = %scan3A) -> (i32)  : i32 {
      %swap3A = arith.index_cast %scan3A_22 : i32 to index
      %swap3A_24 = arith.constant 0 : index
      %swap3A_25 = tpu.vector_load %arg9[%swap3A, %swap3A_24] {strides = array<i32>} : memref<640x16xf32, #tpu.memory_space<vmem>>, vector<16xf32>,
      tpu.vector_store %arg9[%swap3A, %swap3A_24], %broadcast_in_dim3A_1 {strides = array<i32>} : memref<640x16xf32, #tpu.memory_space<vmem>>, vector<16xf32>,
      %scan3A_26 = arith.constant 0 : i32
      scf.yield %scan3A_26 : i32
    }
    %scan3A_7 = arith.constant 640 : i32
    %mul3A_8 = arith.constant 640 : i32
    %mul3A_9 = arith.muli %arg1, %mul3A_8 : i32
    "tpu.region"() ({
      %run_scoped3A = tpu.sem_alloc : memref<!tpu.dma_semaphore, #tpu.memory_space<semaphore_mem>>
      %dma_start3A = arith.constant 0 : i32
      %dma_start3A_22 = tpu.memref_slice %arg10[%mul3A_9, %dma_start3A] : memref<10240x16xf32, #tpu.memory_space<vmem_shared>> -> memref<640x16xf32, #tpu.memory_space<vmem_shared>>
      %dma_start3A_23 = arith.constant 0 : i32
      %dma_start3A_24 = tpu.memref_slice %arg10[%mul3A_9, %dma_start3A_23] : memref<10240x16xf32, #tpu.memory_space<vmem_shared>> -> memref<640x16xf32, #tpu.memory_space<vmem_shared>>
      tpu.enqueue_dma source(%arg9 : memref<640x16xf32, #tpu.memory_space<vmem>>) target(%dma_start3A_24 : memref<640x16xf32, #tpu.memory_space<vmem_shared>>) target_semaphore(%run_scoped3A : memref<!tpu.dma_semaphore, #tpu.memory_space<semaphore_mem>>)
      %dma_wait3A = arith.constant 0 : i32
      %dma_wait3A_25 = tpu.memref_slice %arg10[%mul3A_9, %dma_wait3A] : memref<10240x16xf32, #tpu.memory_space<vmem_shared>> -> memref<640x16xf32, #tpu.memory_space<vmem_shared>>
      %dma_wait3A_26 = arith.constant 0 : i32
      %dma_wait3A_27 = tpu.memref_slice %arg10[%mul3A_9, %dma_wait3A_26] : memref<10240x16xf32, #tpu.memory_space<vmem_shared>> -> memref<640x16xf32, #tpu.memory_space<vmem_shared>>
      tpu.wait_dma2 semaphore(%run_scoped3A : memref<!tpu.dma_semaphore, #tpu.memory_space<semaphore_mem>>) src(%arg9 : memref<640x16xf32, #tpu.memory_space<vmem>>) dst(%dma_wait3A_27 : memref<640x16xf32, #tpu.memory_space<vmem_shared>>)
      tpu.yield
    }) : () -> ()
    %barrier3A = arith.constant 0 : index
    tpu.barrier barrier_id(%barrier3A)
    "tpu.region"() ({
      %run_scoped3A = tpu.sem_alloc : memref<!tpu.dma_semaphore, #tpu.memory_space<semaphore_mem>>
      %dma_start3A = arith.constant 0 : i32
      %dma_start3A_22 = arith.constant 0 : i32
      %dma_start3A_23 = tpu.memref_slice %arg3[%add3A, %dma_start3A, %dma_start3A_22] : memref<32x125x80xi32, #tpu.memory_space<hbm>> -> memref<1x125x80xi32, #tpu.memory_space<hbm>>
      %dma_start3A_24 = tpu.memref_squeeze %dma_start3A_23 : memref<1x125x80xi32, #tpu.memory_space<hbm>> -> memref<125x80xi32, #tpu.memory_space<hbm>>
      %dma_start3A_25 = arith.constant 0 : i32
      %dma_start3A_26 = arith.constant 0 : i32
      %dma_start3A_27 = tpu.memref_slice %arg3[%add3A, %dma_start3A_25, %dma_start3A_26] : memref<32x125x80xi32, #tpu.memory_space<hbm>> -> memref<1x125x80xi32, #tpu.memory_space<hbm>>
      %dma_start3A_28 = tpu.memref_squeeze %dma_start3A_27 : memref<1x125x80xi32, #tpu.memory_space<hbm>> -> memref<125x80xi32, #tpu.memory_space<hbm>>
      tpu.enqueue_dma source(%dma_start3A_28 : memref<125x80xi32, #tpu.memory_space<hbm>>) target(%arg6 : memref<125x80xi32, #tpu.memory_space<vmem>>) target_semaphore(%run_scoped3A : memref<!tpu.dma_semaphore, #tpu.memory_space<semaphore_mem>>)
      %dma_wait3A = arith.constant 0 : i32
      %dma_wait3A_29 = arith.constant 0 : i32
      %dma_wait3A_30 = tpu.memref_slice %arg3[%add3A, %dma_wait3A, %dma_wait3A_29] : memref<32x125x80xi32, #tpu.memory_space<hbm>> -> memref<1x125x80xi32, #tpu.memory_space<hbm>>
      %dma_wait3A_31 = tpu.memref_squeeze %dma_wait3A_30 : memref<1x125x80xi32, #tpu.memory_space<hbm>> -> memref<125x80xi32, #tpu.memory_space<hbm>>
      %dma_wait3A_32 = arith.constant 0 : i32
      %dma_wait3A_33 = arith.constant 0 : i32
      %dma_wait3A_34 = tpu.memref_slice %arg3[%add3A, %dma_wait3A_32, %dma_wait3A_33] : memref<32x125x80xi32, #tpu.memory_space<hbm>> -> memref<1x125x80xi32, #tpu.memory_space<hbm>>
      %dma_wait3A_35 = tpu.memref_squeeze %dma_wait3A_34 : memref<1x125x80xi32, #tpu.memory_space<hbm>> -> memref<125x80xi32, #tpu.memory_space<hbm>>
      tpu.wait_dma2 semaphore(%run_scoped3A : memref<!tpu.dma_semaphore, #tpu.memory_space<semaphore_mem>>) src(%dma_wait3A_35 : memref<125x80xi32, #tpu.memory_space<hbm>>) dst(%arg6 : memref<125x80xi32, #tpu.memory_space<vmem>>)
      tpu.yield
    }) : () -> ()
    "tpu.region"() ({
      %run_scoped3A = tpu.sem_alloc : memref<!tpu.dma_semaphore, #tpu.memory_space<semaphore_mem>>
      %dma_start3A = arith.constant 0 : i32
      %dma_start3A_22 = arith.constant 0 : i32
      %dma_start3A_23 = tpu.memref_slice %arg4[%add3A, %dma_start3A, %dma_start3A_22] : memref<32x125x80xi32, #tpu.memory_space<hbm>> -> memref<1x125x80xi32, #tpu.memory_space<hbm>>
      %dma_start3A_24 = tpu.memref_squeeze %dma_start3A_23 : memref<1x125x80xi32, #tpu.memory_space<hbm>> -> memref<125x80xi32, #tpu.memory_space<hbm>>
      %dma_start3A_25 = arith.constant 0 : i32
      %dma_start3A_26 = arith.constant 0 : i32
      %dma_start3A_27 = tpu.memref_slice %arg4[%add3A, %dma_start3A_25, %dma_start3A_26] : memref<32x125x80xi32, #tpu.memory_space<hbm>> -> memref<1x125x80xi32, #tpu.memory_space<hbm>>
      %dma_start3A_28 = tpu.memref_squeeze %dma_start3A_27 : memref<1x125x80xi32, #tpu.memory_space<hbm>> -> memref<125x80xi32, #tpu.memory_space<hbm>>
      tpu.enqueue_dma source(%dma_start3A_28 : memref<125x80xi32, #tpu.memory_space<hbm>>) target(%arg7 : memref<125x80xi32, #tpu.memory_space<vmem>>) target_semaphore(%run_scoped3A : memref<!tpu.dma_semaphore, #tpu.memory_space<semaphore_mem>>)
      %dma_wait3A = arith.constant 0 : i32
      %dma_wait3A_29 = arith.constant 0 : i32
      %dma_wait3A_30 = tpu.memref_slice %arg4[%add3A, %dma_wait3A, %dma_wait3A_29] : memref<32x125x80xi32, #tpu.memory_space<hbm>> -> memref<1x125x80xi32, #tpu.memory_space<hbm>>
      %dma_wait3A_31 = tpu.memref_squeeze %dma_wait3A_30 : memref<1x125x80xi32, #tpu.memory_space<hbm>> -> memref<125x80xi32, #tpu.memory_space<hbm>>
      %dma_wait3A_32 = arith.constant 0 : i32
      %dma_wait3A_33 = arith.constant 0 : i32
      %dma_wait3A_34 = tpu.memref_slice %arg4[%add3A, %dma_wait3A_32, %dma_wait3A_33] : memref<32x125x80xi32, #tpu.memory_space<hbm>> -> memref<1x125x80xi32, #tpu.memory_space<hbm>>
      %dma_wait3A_35 = tpu.memref_squeeze %dma_wait3A_34 : memref<1x125x80xi32, #tpu.memory_space<hbm>> -> memref<125x80xi32, #tpu.memory_space<hbm>>
      tpu.wait_dma2 semaphore(%run_scoped3A : memref<!tpu.dma_semaphore, #tpu.memory_space<semaphore_mem>>) src(%dma_wait3A_35 : memref<125x80xi32, #tpu.memory_space<hbm>>) dst(%arg7 : memref<125x80xi32, #tpu.memory_space<vmem>>)
      tpu.yield
    }) : () -> ()
    %scan3A_10 = arith.constant 0 : i32
    %scan3A_11 = arith.constant 0 : i32
    %scan3A_12 = arith.constant 125 : i32
    %scan3A_13 = arith.addi %scan3A_11, %scan3A_12 : i32
    %scan3A_14 = arith.constant 1 : i32
    %scan3A_15 = scf.for %scan3A_22 = %scan3A_11 to %scan3A_13 step %scan3A_14 iter_args(%scan3A_23 = %scan3A_10) -> (i32)  : i32 {
      %dma_start3A = arith.constant 0 : i32
      %dma_start3A_24 = tpu.memref_slice %arg6[%scan3A_22, %dma_start3A] : memref<125x80xi32, #tpu.memory_space<vmem>> -> memref<1x80xi32, #tpu.memory_space<vmem>>
      %dma_start3A_25 = tpu.memref_squeeze %dma_start3A_24 : memref<1x80xi32, #tpu.memory_space<vmem>> -> memref<80xi32, #tpu.memory_space<vmem>>
      %dma_start3A_26 = arith.constant 0 : i32
      %dma_start3A_27 = arith.constant 0 : i32
      %dma_start3A_28 = tpu.memref_slice %arg2[%dma_start3A_26, %dma_start3A_27] : memref<10000x16xf32, #tpu.memory_space<hbm>> -> memref<10000x16xf32, #tpu.memory_space<hbm>>
      tpu.enqueue_indirect_dma source(%dma_start3A_28 : memref<10000x16xf32, #tpu.memory_space<hbm>>) target(%arg8 : memref<80x16xf32, #tpu.memory_space<vmem>>) offsets(%dma_start3A_25 : memref<80xi32, #tpu.memory_space<vmem>>) semaphore(%arg11 : memref<!tpu.dma_semaphore, #tpu.memory_space<semaphore_mem>>)
      %dma_wait3A = arith.constant 0 : i32
      %dma_wait3A_29 = tpu.memref_slice %arg6[%scan3A_22, %dma_wait3A] : memref<125x80xi32, #tpu.memory_space<vmem>> -> memref<1x80xi32, #tpu.memory_space<vmem>>
      %dma_wait3A_30 = tpu.memref_squeeze %dma_wait3A_29 : memref<1x80xi32, #tpu.memory_space<vmem>> -> memref<80xi32, #tpu.memory_space<vmem>>
      %dma_wait3A_31 = arith.constant 0 : i32
      %dma_wait3A_32 = arith.constant 0 : i32
      %dma_wait3A_33 = tpu.memref_slice %arg2[%dma_wait3A_31, %dma_wait3A_32] : memref<10000x16xf32, #tpu.memory_space<hbm>> -> memref<10000x16xf32, #tpu.memory_space<hbm>>
      tpu.wait_indirect_dma semaphore(%arg11 : memref<!tpu.dma_semaphore, #tpu.memory_space<semaphore_mem>>) src(%dma_wait3A_33 : memref<10000x16xf32, #tpu.memory_space<hbm>>) dst(%arg8 : memref<80x16xf32, #tpu.memory_space<vmem>>)
      "tpu.region"() ({
        %run_scoped3A = tpu.sem_alloc : memref<!tpu.dma_semaphore, #tpu.memory_space<semaphore_mem>>
        %dma_start3A_35 = arith.constant 0 : i32
        %dma_start3A_36 = tpu.memref_slice %arg7[%scan3A_22, %dma_start3A_35] : memref<125x80xi32, #tpu.memory_space<vmem>> -> memref<1x80xi32, #tpu.memory_space<vmem>>
        %dma_start3A_37 = tpu.memref_squeeze %dma_start3A_36 : memref<1x80xi32, #tpu.memory_space<vmem>> -> memref<80xi32, #tpu.memory_space<vmem>>
        %dma_start3A_38 = arith.constant 0 : i32
        %dma_start3A_39 = arith.constant 0 : i32
        %dma_start3A_40 = tpu.memref_slice %arg10[%dma_start3A_38, %dma_start3A_39] : memref<10240x16xf32, #tpu.memory_space<vmem_shared>> -> memref<10240x16xf32, #tpu.memory_space<vmem_shared>>
        tpu.enqueue_indirect_dma source(%arg8 : memref<80x16xf32, #tpu.memory_space<vmem>>) target(%dma_start3A_40 : memref<10240x16xf32, #tpu.memory_space<vmem_shared>>) offsets(%dma_start3A_37 : memref<80xi32, #tpu.memory_space<vmem>>) semaphore(%run_scoped3A : memref<!tpu.dma_semaphore, #tpu.memory_space<semaphore_mem>>) {add = true}
        %dma_wait3A_41 = arith.constant 0 : i32
        %dma_wait3A_42 = tpu.memref_slice %arg7[%scan3A_22, %dma_wait3A_41] : memref<125x80xi32, #tpu.memory_space<vmem>> -> memref<1x80xi32, #tpu.memory_space<vmem>>
        %dma_wait3A_43 = tpu.memref_squeeze %dma_wait3A_42 : memref<1x80xi32, #tpu.memory_space<vmem>> -> memref<80xi32, #tpu.memory_space<vmem>>
        %dma_wait3A_44 = arith.constant 0 : i32
        %dma_wait3A_45 = arith.constant 0 : i32
        %dma_wait3A_46 = tpu.memref_slice %arg10[%dma_wait3A_44, %dma_wait3A_45] : memref<10240x16xf32, #tpu.memory_space<vmem_shared>> -> memref<10240x16xf32, #tpu.memory_space<vmem_shared>>
        tpu.wait_indirect_dma semaphore(%run_scoped3A : memref<!tpu.dma_semaphore, #tpu.memory_space<semaphore_mem>>) src(%arg8 : memref<80x16xf32, #tpu.memory_space<vmem>>) dst(%dma_wait3A_46 : memref<10240x16xf32, #tpu.memory_space<vmem_shared>>)
        tpu.yield
      }) : () -> ()
      %scan3A_34 = arith.constant 0 : i32
      scf.yield %scan3A_34 : i32
    }
    %scan3A_16 = arith.constant 125 : i32
    %barrier3A_17 = arith.constant 0 : index
    tpu.barrier barrier_id(%barrier3A_17)
    %mul3A_18 = arith.constant 640 : i32
    %mul3A_19 = arith.muli %arg1, %mul3A_18 : i32
    "tpu.region"() ({
      %run_scoped3A = tpu.sem_alloc : memref<!tpu.dma_semaphore, #tpu.memory_space<semaphore_mem>>
      %dma_start3A = arith.constant 0 : i32
      %dma_start3A_22 = tpu.memref_slice %arg10[%mul3A_19, %dma_start3A] : memref<10240x16xf32, #tpu.memory_space<vmem_shared>> -> memref<640x16xf32, #tpu.memory_space<vmem_shared>>
      %dma_start3A_23 = arith.constant 0 : i32
      %dma_start3A_24 = tpu.memref_slice %arg10[%mul3A_19, %dma_start3A_23] : memref<10240x16xf32, #tpu.memory_space<vmem_shared>> -> memref<640x16xf32, #tpu.memory_space<vmem_shared>>
      tpu.enqueue_dma source(%dma_start3A_24 : memref<640x16xf32, #tpu.memory_space<vmem_shared>>) target(%arg9 : memref<640x16xf32, #tpu.memory_space<vmem>>) target_semaphore(%run_scoped3A : memref<!tpu.dma_semaphore, #tpu.memory_space<semaphore_mem>>)
      %dma_wait3A = arith.constant 0 : i32
      %dma_wait3A_25 = tpu.memref_slice %arg10[%mul3A_19, %dma_wait3A] : memref<10240x16xf32, #tpu.memory_space<vmem_shared>> -> memref<640x16xf32, #tpu.memory_space<vmem_shared>>
      %dma_wait3A_26 = arith.constant 0 : i32
      %dma_wait3A_27 = tpu.memref_slice %arg10[%mul3A_19, %dma_wait3A_26] : memref<10240x16xf32, #tpu.memory_space<vmem_shared>> -> memref<640x16xf32, #tpu.memory_space<vmem_shared>>
      tpu.wait_dma2 semaphore(%run_scoped3A : memref<!tpu.dma_semaphore, #tpu.memory_space<semaphore_mem>>) src(%dma_wait3A_27 : memref<640x16xf32, #tpu.memory_space<vmem_shared>>) dst(%arg9 : memref<640x16xf32, #tpu.memory_space<vmem>>)
      tpu.yield
    }) : () -> ()
    %mul3A_20 = arith.constant 640 : i32
    %mul3A_21 = arith.muli %arg1, %mul3A_20 : i32
    "tpu.region"() ({
      %run_scoped3A = tpu.sem_alloc : memref<!tpu.dma_semaphore, #tpu.memory_space<semaphore_mem>>
      %dma_start3A = arith.constant 0 : i32
      %dma_start3A_22 = tpu.memref_slice %arg5[%arg0, %mul3A_21, %dma_start3A] : memref<2x10240x16xf32, #tpu.memory_space<hbm>> -> memref<1x640x16xf32, #tpu.memory_space<hbm>>
      %dma_start3A_23 = tpu.memref_squeeze %dma_start3A_22 : memref<1x640x16xf32, #tpu.memory_space<hbm>> -> memref<640x16xf32, #tpu.memory_space<hbm>>
      %dma_start3A_24 = arith.constant 0 : i32
      %dma_start3A_25 = tpu.memref_slice %arg5[%arg0, %mul3A_21, %dma_start3A_24] : memref<2x10240x16xf32, #tpu.memory_space<hbm>> -> memref<1x640x16xf32, #tpu.memory_space<hbm>>
      %dma_start3A_26 = tpu.memref_squeeze %dma_start3A_25 : memref<1x640x16xf32, #tpu.memory_space<hbm>> -> memref<640x16xf32, #tpu.memory_space<hbm>>
      tpu.enqueue_dma source(%arg9 : memref<640x16xf32, #tpu.memory_space<vmem>>) target(%dma_start3A_26 : memref<640x16xf32, #tpu.memory_space<hbm>>) target_semaphore(%run_scoped3A : memref<!tpu.dma_semaphore, #tpu.memory_space<semaphore_mem>>)
      %dma_wait3A = arith.constant 0 : i32
      %dma_wait3A_27 = tpu.memref_slice %arg5[%arg0, %mul3A_21, %dma_wait3A] : memref<2x10240x16xf32, #tpu.memory_space<hbm>> -> memref<1x640x16xf32, #tpu.memory_space<hbm>>
      %dma_wait3A_28 = tpu.memref_squeeze %dma_wait3A_27 : memref<1x640x16xf32, #tpu.memory_space<hbm>> -> memref<640x16xf32, #tpu.memory_space<hbm>>
      %dma_wait3A_29 = arith.constant 0 : i32
      %dma_wait3A_30 = tpu.memref_slice %arg5[%arg0, %mul3A_21, %dma_wait3A_29] : memref<2x10240x16xf32, #tpu.memory_space<hbm>> -> memref<1x640x16xf32, #tpu.memory_space<hbm>>
      %dma_wait3A_31 = tpu.memref_squeeze %dma_wait3A_30 : memref<1x640x16xf32, #tpu.memory_space<hbm>> -> memref<640x16xf32, #tpu.memory_space<hbm>>
      tpu.wait_dma2 semaphore(%run_scoped3A : memref<!tpu.dma_semaphore, #tpu.memory_space<semaphore_mem>>) src(%arg9 : memref<640x16xf32, #tpu.memory_space<vmem>>) dst(%dma_wait3A_31 : memref<640x16xf32, #tpu.memory_space<hbm>>)
      tpu.yield
    }) : () -> ()
    return
  }
}

#map = affine_map<(d0, d1) -> (0, 0)>
#map1 = affine_map<(d0, d1) -> (0, 0, 0)>
module attributes {stable_mosaic.version = 14 : i64} {
  func.func @_sc_message(%arg0: i32, %arg1: i32, %arg2: memref<10000x16xf32, #tpu.memory_space<hbm>>, %arg3: memref<32x125x80xi32, #tpu.memory_space<hbm>>, %arg4: memref<32x125x80xi32, #tpu.memory_space<hbm>>, %arg5: memref<2x10240x16xf32, #tpu.memory_space<hbm>>, %arg6: memref<125x80xi32, #tpu.memory_space<vmem>>, %arg7: memref<125x80xi32, #tpu.memory_space<vmem>>, %arg8: memref<80x16xf32, #tpu.memory_space<vmem>>, %arg9: memref<640x16xf32, #tpu.memory_space<vmem>>, %arg10: memref<10240x16xf32, #tpu.memory_space<vmem_shared>>, %arg11: memref<!tpu.dma_semaphore, #tpu.memory_space<semaphore_mem>>) attributes {dimension_semantics = [#tpu.dimension_semantics<core_parallel>, #tpu.dimension_semantics<subcore_parallel>], iteration_bounds = array<i64: 2, 16>, scalar_prefetch = 0 : i64, scratch_operands = 6 : i64, tpu.core_type = #tpu.core_type<sc_vector_subcore>, window_params = [{transform_indices = #map}, {transform_indices = #map1}, {transform_indices = #map1}, {transform_indices = #map1}]} {
    %mul3A = arith.constant 2 : i32
    %mul3A_0 = arith.muli %arg1, %mul3A : i32
    %add3A = arith.addi %mul3A_0, %arg0 : i32
    %broadcast_in_dim3A = arith.constant 0.000000e+00 : f32
    %broadcast_in_dim3A_1 = vector.broadcast %broadcast_in_dim3A : f32 to vector<16xf32>
    %scan3A = arith.constant 0 : i32
    %scan3A_2 = arith.constant 0 : i32
    %scan3A_3 = arith.constant 640 : i32
    %scan3A_4 = arith.addi %scan3A_2, %scan3A_3 : i32
    %scan3A_5 = arith.constant 1 : i32
    %scan3A_6 = scf.for %scan3A_22 = %scan3A_2 to %scan3A_4 step %scan3A_5 iter_args(%scan3A_23 = %scan3A) -> (i32)  : i32 {
      %swap3A = arith.index_cast %scan3A_22 : i32 to index
      %swap3A_24 = arith.constant 0 : index
      %swap3A_25 = tpu.vector_load %arg9[%swap3A, %swap3A_24] {strides = array<i32>} : memref<640x16xf32, #tpu.memory_space<vmem>>, vector<16xf32>,
      tpu.vector_store %arg9[%swap3A, %swap3A_24], %broadcast_in_dim3A_1 {strides = array<i32>} : memref<640x16xf32, #tpu.memory_space<vmem>>, vector<16xf32>,
      %scan3A_26 = arith.constant 0 : i32
      scf.yield %scan3A_26 : i32
    }
    %scan3A_7 = arith.constant 640 : i32
    %mul3A_8 = arith.constant 640 : i32
    %mul3A_9 = arith.muli %arg1, %mul3A_8 : i32
    "tpu.region"() ({
      %run_scoped3A = tpu.sem_alloc : memref<!tpu.dma_semaphore, #tpu.memory_space<semaphore_mem>>
      %dma_start3A = arith.constant 0 : i32
      %dma_start3A_22 = tpu.memref_slice %arg10[%mul3A_9, %dma_start3A] : memref<10240x16xf32, #tpu.memory_space<vmem_shared>> -> memref<640x16xf32, #tpu.memory_space<vmem_shared>>
      %dma_start3A_23 = arith.constant 0 : i32
      %dma_start3A_24 = tpu.memref_slice %arg10[%mul3A_9, %dma_start3A_23] : memref<10240x16xf32, #tpu.memory_space<vmem_shared>> -> memref<640x16xf32, #tpu.memory_space<vmem_shared>>
      tpu.enqueue_dma source(%arg9 : memref<640x16xf32, #tpu.memory_space<vmem>>) target(%dma_start3A_24 : memref<640x16xf32, #tpu.memory_space<vmem_shared>>) target_semaphore(%run_scoped3A : memref<!tpu.dma_semaphore, #tpu.memory_space<semaphore_mem>>)
      %dma_wait3A = arith.constant 0 : i32
      %dma_wait3A_25 = tpu.memref_slice %arg10[%mul3A_9, %dma_wait3A] : memref<10240x16xf32, #tpu.memory_space<vmem_shared>> -> memref<640x16xf32, #tpu.memory_space<vmem_shared>>
      %dma_wait3A_26 = arith.constant 0 : i32
      %dma_wait3A_27 = tpu.memref_slice %arg10[%mul3A_9, %dma_wait3A_26] : memref<10240x16xf32, #tpu.memory_space<vmem_shared>> -> memref<640x16xf32, #tpu.memory_space<vmem_shared>>
      tpu.wait_dma2 semaphore(%run_scoped3A : memref<!tpu.dma_semaphore, #tpu.memory_space<semaphore_mem>>) src(%arg9 : memref<640x16xf32, #tpu.memory_space<vmem>>) dst(%dma_wait3A_27 : memref<640x16xf32, #tpu.memory_space<vmem_shared>>)
      tpu.yield
    }) : () -> ()
    %barrier3A = arith.constant 0 : index
    tpu.barrier barrier_id(%barrier3A)
    "tpu.region"() ({
      %run_scoped3A = tpu.sem_alloc : memref<!tpu.dma_semaphore, #tpu.memory_space<semaphore_mem>>
      %dma_start3A = arith.constant 0 : i32
      %dma_start3A_22 = arith.constant 0 : i32
      %dma_start3A_23 = tpu.memref_slice %arg3[%add3A, %dma_start3A, %dma_start3A_22] : memref<32x125x80xi32, #tpu.memory_space<hbm>> -> memref<1x125x80xi32, #tpu.memory_space<hbm>>
      %dma_start3A_24 = tpu.memref_squeeze %dma_start3A_23 : memref<1x125x80xi32, #tpu.memory_space<hbm>> -> memref<125x80xi32, #tpu.memory_space<hbm>>
      %dma_start3A_25 = arith.constant 0 : i32
      %dma_start3A_26 = arith.constant 0 : i32
      %dma_start3A_27 = tpu.memref_slice %arg3[%add3A, %dma_start3A_25, %dma_start3A_26] : memref<32x125x80xi32, #tpu.memory_space<hbm>> -> memref<1x125x80xi32, #tpu.memory_space<hbm>>
      %dma_start3A_28 = tpu.memref_squeeze %dma_start3A_27 : memref<1x125x80xi32, #tpu.memory_space<hbm>> -> memref<125x80xi32, #tpu.memory_space<hbm>>
      tpu.enqueue_dma source(%dma_start3A_28 : memref<125x80xi32, #tpu.memory_space<hbm>>) target(%arg6 : memref<125x80xi32, #tpu.memory_space<vmem>>) target_semaphore(%run_scoped3A : memref<!tpu.dma_semaphore, #tpu.memory_space<semaphore_mem>>)
      %dma_wait3A = arith.constant 0 : i32
      %dma_wait3A_29 = arith.constant 0 : i32
      %dma_wait3A_30 = tpu.memref_slice %arg3[%add3A, %dma_wait3A, %dma_wait3A_29] : memref<32x125x80xi32, #tpu.memory_space<hbm>> -> memref<1x125x80xi32, #tpu.memory_space<hbm>>
      %dma_wait3A_31 = tpu.memref_squeeze %dma_wait3A_30 : memref<1x125x80xi32, #tpu.memory_space<hbm>> -> memref<125x80xi32, #tpu.memory_space<hbm>>
      %dma_wait3A_32 = arith.constant 0 : i32
      %dma_wait3A_33 = arith.constant 0 : i32
      %dma_wait3A_34 = tpu.memref_slice %arg3[%add3A, %dma_wait3A_32, %dma_wait3A_33] : memref<32x125x80xi32, #tpu.memory_space<hbm>> -> memref<1x125x80xi32, #tpu.memory_space<hbm>>
      %dma_wait3A_35 = tpu.memref_squeeze %dma_wait3A_34 : memref<1x125x80xi32, #tpu.memory_space<hbm>> -> memref<125x80xi32, #tpu.memory_space<hbm>>
      tpu.wait_dma2 semaphore(%run_scoped3A : memref<!tpu.dma_semaphore, #tpu.memory_space<semaphore_mem>>) src(%dma_wait3A_35 : memref<125x80xi32, #tpu.memory_space<hbm>>) dst(%arg6 : memref<125x80xi32, #tpu.memory_space<vmem>>)
      tpu.yield
    }) : () -> ()
    "tpu.region"() ({
      %run_scoped3A = tpu.sem_alloc : memref<!tpu.dma_semaphore, #tpu.memory_space<semaphore_mem>>
      %dma_start3A = arith.constant 0 : i32
      %dma_start3A_22 = arith.constant 0 : i32
      %dma_start3A_23 = tpu.memref_slice %arg4[%add3A, %dma_start3A, %dma_start3A_22] : memref<32x125x80xi32, #tpu.memory_space<hbm>> -> memref<1x125x80xi32, #tpu.memory_space<hbm>>
      %dma_start3A_24 = tpu.memref_squeeze %dma_start3A_23 : memref<1x125x80xi32, #tpu.memory_space<hbm>> -> memref<125x80xi32, #tpu.memory_space<hbm>>
      %dma_start3A_25 = arith.constant 0 : i32
      %dma_start3A_26 = arith.constant 0 : i32
      %dma_start3A_27 = tpu.memref_slice %arg4[%add3A, %dma_start3A_25, %dma_start3A_26] : memref<32x125x80xi32, #tpu.memory_space<hbm>> -> memref<1x125x80xi32, #tpu.memory_space<hbm>>
      %dma_start3A_28 = tpu.memref_squeeze %dma_start3A_27 : memref<1x125x80xi32, #tpu.memory_space<hbm>> -> memref<125x80xi32, #tpu.memory_space<hbm>>
      tpu.enqueue_dma source(%dma_start3A_28 : memref<125x80xi32, #tpu.memory_space<hbm>>) target(%arg7 : memref<125x80xi32, #tpu.memory_space<vmem>>) target_semaphore(%run_scoped3A : memref<!tpu.dma_semaphore, #tpu.memory_space<semaphore_mem>>)
      %dma_wait3A = arith.constant 0 : i32
      %dma_wait3A_29 = arith.constant 0 : i32
      %dma_wait3A_30 = tpu.memref_slice %arg4[%add3A, %dma_wait3A, %dma_wait3A_29] : memref<32x125x80xi32, #tpu.memory_space<hbm>> -> memref<1x125x80xi32, #tpu.memory_space<hbm>>
      %dma_wait3A_31 = tpu.memref_squeeze %dma_wait3A_30 : memref<1x125x80xi32, #tpu.memory_space<hbm>> -> memref<125x80xi32, #tpu.memory_space<hbm>>
      %dma_wait3A_32 = arith.constant 0 : i32
      %dma_wait3A_33 = arith.constant 0 : i32
      %dma_wait3A_34 = tpu.memref_slice %arg4[%add3A, %dma_wait3A_32, %dma_wait3A_33] : memref<32x125x80xi32, #tpu.memory_space<hbm>> -> memref<1x125x80xi32, #tpu.memory_space<hbm>>
      %dma_wait3A_35 = tpu.memref_squeeze %dma_wait3A_34 : memref<1x125x80xi32, #tpu.memory_space<hbm>> -> memref<125x80xi32, #tpu.memory_space<hbm>>
      tpu.wait_dma2 semaphore(%run_scoped3A : memref<!tpu.dma_semaphore, #tpu.memory_space<semaphore_mem>>) src(%dma_wait3A_35 : memref<125x80xi32, #tpu.memory_space<hbm>>) dst(%arg7 : memref<125x80xi32, #tpu.memory_space<vmem>>)
      tpu.yield
    }) : () -> ()
    %scan3A_10 = arith.constant 0 : i32
    %scan3A_11 = arith.constant 0 : i32
    %scan3A_12 = arith.constant 125 : i32
    %scan3A_13 = arith.addi %scan3A_11, %scan3A_12 : i32
    %scan3A_14 = arith.constant 1 : i32
    %scan3A_15 = scf.for %scan3A_22 = %scan3A_11 to %scan3A_13 step %scan3A_14 iter_args(%scan3A_23 = %scan3A_10) -> (i32)  : i32 {
      %dma_start3A = arith.constant 0 : i32
      %dma_start3A_24 = tpu.memref_slice %arg6[%scan3A_22, %dma_start3A] : memref<125x80xi32, #tpu.memory_space<vmem>> -> memref<1x80xi32, #tpu.memory_space<vmem>>
      %dma_start3A_25 = tpu.memref_squeeze %dma_start3A_24 : memref<1x80xi32, #tpu.memory_space<vmem>> -> memref<80xi32, #tpu.memory_space<vmem>>
      %dma_start3A_26 = arith.constant 0 : i32
      %dma_start3A_27 = arith.constant 0 : i32
      %dma_start3A_28 = tpu.memref_slice %arg2[%dma_start3A_26, %dma_start3A_27] : memref<10000x16xf32, #tpu.memory_space<hbm>> -> memref<10000x16xf32, #tpu.memory_space<hbm>>
      tpu.enqueue_indirect_dma source(%dma_start3A_28 : memref<10000x16xf32, #tpu.memory_space<hbm>>) target(%arg8 : memref<80x16xf32, #tpu.memory_space<vmem>>) offsets(%dma_start3A_25 : memref<80xi32, #tpu.memory_space<vmem>>) semaphore(%arg11 : memref<!tpu.dma_semaphore, #tpu.memory_space<semaphore_mem>>)
      %dma_wait3A = arith.constant 0 : i32
      %dma_wait3A_29 = tpu.memref_slice %arg6[%scan3A_22, %dma_wait3A] : memref<125x80xi32, #tpu.memory_space<vmem>> -> memref<1x80xi32, #tpu.memory_space<vmem>>
      %dma_wait3A_30 = tpu.memref_squeeze %dma_wait3A_29 : memref<1x80xi32, #tpu.memory_space<vmem>> -> memref<80xi32, #tpu.memory_space<vmem>>
      %dma_wait3A_31 = arith.constant 0 : i32
      %dma_wait3A_32 = arith.constant 0 : i32
      %dma_wait3A_33 = tpu.memref_slice %arg2[%dma_wait3A_31, %dma_wait3A_32] : memref<10000x16xf32, #tpu.memory_space<hbm>> -> memref<10000x16xf32, #tpu.memory_space<hbm>>
      tpu.wait_indirect_dma semaphore(%arg11 : memref<!tpu.dma_semaphore, #tpu.memory_space<semaphore_mem>>) src(%dma_wait3A_33 : memref<10000x16xf32, #tpu.memory_space<hbm>>) dst(%arg8 : memref<80x16xf32, #tpu.memory_space<vmem>>)
      "tpu.region"() ({
        %run_scoped3A = tpu.sem_alloc : memref<!tpu.dma_semaphore, #tpu.memory_space<semaphore_mem>>
        %dma_start3A_35 = arith.constant 0 : i32
        %dma_start3A_36 = tpu.memref_slice %arg7[%scan3A_22, %dma_start3A_35] : memref<125x80xi32, #tpu.memory_space<vmem>> -> memref<1x80xi32, #tpu.memory_space<vmem>>
        %dma_start3A_37 = tpu.memref_squeeze %dma_start3A_36 : memref<1x80xi32, #tpu.memory_space<vmem>> -> memref<80xi32, #tpu.memory_space<vmem>>
        %dma_start3A_38 = arith.constant 0 : i32
        %dma_start3A_39 = arith.constant 0 : i32
        %dma_start3A_40 = tpu.memref_slice %arg10[%dma_start3A_38, %dma_start3A_39] : memref<10240x16xf32, #tpu.memory_space<vmem_shared>> -> memref<10240x16xf32, #tpu.memory_space<vmem_shared>>
        tpu.enqueue_indirect_dma source(%arg8 : memref<80x16xf32, #tpu.memory_space<vmem>>) target(%dma_start3A_40 : memref<10240x16xf32, #tpu.memory_space<vmem_shared>>) offsets(%dma_start3A_37 : memref<80xi32, #tpu.memory_space<vmem>>) semaphore(%run_scoped3A : memref<!tpu.dma_semaphore, #tpu.memory_space<semaphore_mem>>) {add = true}
        %dma_wait3A_41 = arith.constant 0 : i32
        %dma_wait3A_42 = tpu.memref_slice %arg7[%scan3A_22, %dma_wait3A_41] : memref<125x80xi32, #tpu.memory_space<vmem>> -> memref<1x80xi32, #tpu.memory_space<vmem>>
        %dma_wait3A_43 = tpu.memref_squeeze %dma_wait3A_42 : memref<1x80xi32, #tpu.memory_space<vmem>> -> memref<80xi32, #tpu.memory_space<vmem>>
        %dma_wait3A_44 = arith.constant 0 : i32
        %dma_wait3A_45 = arith.constant 0 : i32
        %dma_wait3A_46 = tpu.memref_slice %arg10[%dma_wait3A_44, %dma_wait3A_45] : memref<10240x16xf32, #tpu.memory_space<vmem_shared>> -> memref<10240x16xf32, #tpu.memory_space<vmem_shared>>
        tpu.wait_indirect_dma semaphore(%run_scoped3A : memref<!tpu.dma_semaphore, #tpu.memory_space<semaphore_mem>>) src(%arg8 : memref<80x16xf32, #tpu.memory_space<vmem>>) dst(%dma_wait3A_46 : memref<10240x16xf32, #tpu.memory_space<vmem_shared>>)
        tpu.yield
      }) : () -> ()
      %scan3A_34 = arith.constant 0 : i32
      scf.yield %scan3A_34 : i32
    }
    %scan3A_16 = arith.constant 125 : i32
    %barrier3A_17 = arith.constant 0 : index
    tpu.barrier barrier_id(%barrier3A_17)
    %mul3A_18 = arith.constant 640 : i32
    %mul3A_19 = arith.muli %arg1, %mul3A_18 : i32
    "tpu.region"() ({
      %run_scoped3A = tpu.sem_alloc : memref<!tpu.dma_semaphore, #tpu.memory_space<semaphore_mem>>
      %dma_start3A = arith.constant 0 : i32
      %dma_start3A_22 = tpu.memref_slice %arg10[%mul3A_19, %dma_start3A] : memref<10240x16xf32, #tpu.memory_space<vmem_shared>> -> memref<640x16xf32, #tpu.memory_space<vmem_shared>>
      %dma_start3A_23 = arith.constant 0 : i32
      %dma_start3A_24 = tpu.memref_slice %arg10[%mul3A_19, %dma_start3A_23] : memref<10240x16xf32, #tpu.memory_space<vmem_shared>> -> memref<640x16xf32, #tpu.memory_space<vmem_shared>>
      tpu.enqueue_dma source(%dma_start3A_24 : memref<640x16xf32, #tpu.memory_space<vmem_shared>>) target(%arg9 : memref<640x16xf32, #tpu.memory_space<vmem>>) target_semaphore(%run_scoped3A : memref<!tpu.dma_semaphore, #tpu.memory_space<semaphore_mem>>)
      %dma_wait3A = arith.constant 0 : i32
      %dma_wait3A_25 = tpu.memref_slice %arg10[%mul3A_19, %dma_wait3A] : memref<10240x16xf32, #tpu.memory_space<vmem_shared>> -> memref<640x16xf32, #tpu.memory_space<vmem_shared>>
      %dma_wait3A_26 = arith.constant 0 : i32
      %dma_wait3A_27 = tpu.memref_slice %arg10[%mul3A_19, %dma_wait3A_26] : memref<10240x16xf32, #tpu.memory_space<vmem_shared>> -> memref<640x16xf32, #tpu.memory_space<vmem_shared>>
      tpu.wait_dma2 semaphore(%run_scoped3A : memref<!tpu.dma_semaphore, #tpu.memory_space<semaphore_mem>>) src(%dma_wait3A_27 : memref<640x16xf32, #tpu.memory_space<vmem_shared>>) dst(%arg9 : memref<640x16xf32, #tpu.memory_space<vmem>>)
      tpu.yield
    }) : () -> ()
    %mul3A_20 = arith.constant 640 : i32
    %mul3A_21 = arith.muli %arg1, %mul3A_20 : i32
    "tpu.region"() ({
      %run_scoped3A = tpu.sem_alloc : memref<!tpu.dma_semaphore, #tpu.memory_space<semaphore_mem>>
      %dma_start3A = arith.constant 0 : i32
      %dma_start3A_22 = tpu.memref_slice %arg5[%arg0, %mul3A_21, %dma_start3A] : memref<2x10240x16xf32, #tpu.memory_space<hbm>> -> memref<1x640x16xf32, #tpu.memory_space<hbm>>
      %dma_start3A_23 = tpu.memref_squeeze %dma_start3A_22 : memref<1x640x16xf32, #tpu.memory_space<hbm>> -> memref<640x16xf32, #tpu.memory_space<hbm>>
      %dma_start3A_24 = arith.constant 0 : i32
      %dma_start3A_25 = tpu.memref_slice %arg5[%arg0, %mul3A_21, %dma_start3A_24] : memref<2x10240x16xf32, #tpu.memory_space<hbm>> -> memref<1x640x16xf32, #tpu.memory_space<hbm>>
      %dma_start3A_26 = tpu.memref_squeeze %dma_start3A_25 : memref<1x640x16xf32, #tpu.memory_space<hbm>> -> memref<640x16xf32, #tpu.memory_space<hbm>>
      tpu.enqueue_dma source(%arg9 : memref<640x16xf32, #tpu.memory_space<vmem>>) target(%dma_start3A_26 : memref<640x16xf32, #tpu.memory_space<hbm>>) target_semaphore(%run_scoped3A : memref<!tpu.dma_semaphore, #tpu.memory_space<semaphore_mem>>)
      %dma_wait3A = arith.constant 0 : i32
      %dma_wait3A_27 = tpu.memref_slice %arg5[%arg0, %mul3A_21, %dma_wait3A] : memref<2x10240x16xf32, #tpu.memory_space<hbm>> -> memref<1x640x16xf32, #tpu.memory_space<hbm>>
      %dma_wait3A_28 = tpu.memref_squeeze %dma_wait3A_27 : memref<1x640x16xf32, #tpu.memory_space<hbm>> -> memref<640x16xf32, #tpu.memory_space<hbm>>
      %dma_wait3A_29 = arith.constant 0 : i32
      %dma_wait3A_30 = tpu.memref_slice %arg5[%arg0, %mul3A_21, %dma_wait3A_29] : memref<2x10240x16xf32, #tpu.memory_space<hbm>> -> memref<1x640x16xf32, #tpu.memory_space<hbm>>
      %dma_wait3A_31 = tpu.memref_squeeze %dma_wait3A_30 : memref<1x640x16xf32, #tpu.memory_space<hbm>> -> memref<640x16xf32, #tpu.memory_space<hbm>>
      tpu.wait_dma2 semaphore(%run_scoped3A : memref<!tpu.dma_semaphore, #tpu.memory_space<semaphore_mem>>) src(%arg9 : memref<640x16xf32, #tpu.memory_space<vmem>>) dst(%dma_wait3A_31 : memref<640x16xf32, #tpu.memory_space<hbm>>)
      tpu.yield
    }) : () -> ()
    return
  }
}

#map = affine_map<(d0, d1) -> (0, 0)>
#map1 = affine_map<(d0, d1) -> (0, 0, 0)>
module attributes {stable_mosaic.version = 14 : i64} {
  func.func @_sc_edge_sum(%arg0: i32, %arg1: i32, %arg2: memref<10000x16xf32, #tpu.memory_space<hbm>>, %arg3: memref<10000x16xf32, #tpu.memory_space<hbm>>, %arg4: memref<32x125x80xi32, #tpu.memory_space<hbm>>, %arg5: memref<32x125x80xi32, #tpu.memory_space<hbm>>, %arg6: memref<320000x16xf32, #tpu.memory_space<hbm>>, %arg7: memref<125x80xi32, #tpu.memory_space<vmem>>, %arg8: memref<125x80xi32, #tpu.memory_space<vmem>>, %arg9: memref<80x16xf32, #tpu.memory_space<vmem>>, %arg10: memref<80x16xf32, #tpu.memory_space<vmem>>, %arg11: memref<!tpu.dma_semaphore, #tpu.memory_space<semaphore_mem>>, %arg12: memref<!tpu.dma_semaphore, #tpu.memory_space<semaphore_mem>>) attributes {dimension_semantics = [#tpu.dimension_semantics<core_parallel>, #tpu.dimension_semantics<subcore_parallel>], iteration_bounds = array<i64: 2, 16>, scalar_prefetch = 0 : i64, scratch_operands = 6 : i64, tpu.core_type = #tpu.core_type<sc_vector_subcore>, window_params = [{transform_indices = #map}, {transform_indices = #map}, {transform_indices = #map1}, {transform_indices = #map1}, {transform_indices = #map}]} {
    %mul3A = arith.constant 2 : i32
    %mul3A_0 = arith.muli %arg1, %mul3A : i32
    %add3A = arith.addi %mul3A_0, %arg0 : i32
    %mul3A_1 = arith.constant 10000 : i32
    %mul3A_2 = arith.muli %add3A, %mul3A_1 : i32
    "tpu.region"() ({
      %run_scoped3A = tpu.sem_alloc : memref<!tpu.dma_semaphore, #tpu.memory_space<semaphore_mem>>
      %dma_start3A = arith.constant 0 : i32
      %dma_start3A_9 = arith.constant 0 : i32
      %dma_start3A_10 = tpu.memref_slice %arg4[%add3A, %dma_start3A, %dma_start3A_9] : memref<32x125x80xi32, #tpu.memory_space<hbm>> -> memref<1x125x80xi32, #tpu.memory_space<hbm>>
      %dma_start3A_11 = tpu.memref_squeeze %dma_start3A_10 : memref<1x125x80xi32, #tpu.memory_space<hbm>> -> memref<125x80xi32, #tpu.memory_space<hbm>>
      %dma_start3A_12 = arith.constant 0 : i32
      %dma_start3A_13 = arith.constant 0 : i32
      %dma_start3A_14 = tpu.memref_slice %arg4[%add3A, %dma_start3A_12, %dma_start3A_13] : memref<32x125x80xi32, #tpu.memory_space<hbm>> -> memref<1x125x80xi32, #tpu.memory_space<hbm>>
      %dma_start3A_15 = tpu.memref_squeeze %dma_start3A_14 : memref<1x125x80xi32, #tpu.memory_space<hbm>> -> memref<125x80xi32, #tpu.memory_space<hbm>>
      tpu.enqueue_dma source(%dma_start3A_15 : memref<125x80xi32, #tpu.memory_space<hbm>>) target(%arg7 : memref<125x80xi32, #tpu.memory_space<vmem>>) target_semaphore(%run_scoped3A : memref<!tpu.dma_semaphore, #tpu.memory_space<semaphore_mem>>)
      %dma_wait3A = arith.constant 0 : i32
      %dma_wait3A_16 = arith.constant 0 : i32
      %dma_wait3A_17 = tpu.memref_slice %arg4[%add3A, %dma_wait3A, %dma_wait3A_16] : memref<32x125x80xi32, #tpu.memory_space<hbm>> -> memref<1x125x80xi32, #tpu.memory_space<hbm>>
      %dma_wait3A_18 = tpu.memref_squeeze %dma_wait3A_17 : memref<1x125x80xi32, #tpu.memory_space<hbm>> -> memref<125x80xi32, #tpu.memory_space<hbm>>
      %dma_wait3A_19 = arith.constant 0 : i32
      %dma_wait3A_20 = arith.constant 0 : i32
      %dma_wait3A_21 = tpu.memref_slice %arg4[%add3A, %dma_wait3A_19, %dma_wait3A_20] : memref<32x125x80xi32, #tpu.memory_space<hbm>> -> memref<1x125x80xi32, #tpu.memory_space<hbm>>
      %dma_wait3A_22 = tpu.memref_squeeze %dma_wait3A_21 : memref<1x125x80xi32, #tpu.memory_space<hbm>> -> memref<125x80xi32, #tpu.memory_space<hbm>>
      tpu.wait_dma2 semaphore(%run_scoped3A : memref<!tpu.dma_semaphore, #tpu.memory_space<semaphore_mem>>) src(%dma_wait3A_22 : memref<125x80xi32, #tpu.memory_space<hbm>>) dst(%arg7 : memref<125x80xi32, #tpu.memory_space<vmem>>)
      tpu.yield
    }) : () -> ()
    "tpu.region"() ({
      %run_scoped3A = tpu.sem_alloc : memref<!tpu.dma_semaphore, #tpu.memory_space<semaphore_mem>>
      %dma_start3A = arith.constant 0 : i32
      %dma_start3A_9 = arith.constant 0 : i32
      %dma_start3A_10 = tpu.memref_slice %arg5[%add3A, %dma_start3A, %dma_start3A_9] : memref<32x125x80xi32, #tpu.memory_space<hbm>> -> memref<1x125x80xi32, #tpu.memory_space<hbm>>
      %dma_start3A_11 = tpu.memref_squeeze %dma_start3A_10 : memref<1x125x80xi32, #tpu.memory_space<hbm>> -> memref<125x80xi32, #tpu.memory_space<hbm>>
      %dma_start3A_12 = arith.constant 0 : i32
      %dma_start3A_13 = arith.constant 0 : i32
      %dma_start3A_14 = tpu.memref_slice %arg5[%add3A, %dma_start3A_12, %dma_start3A_13] : memref<32x125x80xi32, #tpu.memory_space<hbm>> -> memref<1x125x80xi32, #tpu.memory_space<hbm>>
      %dma_start3A_15 = tpu.memref_squeeze %dma_start3A_14 : memref<1x125x80xi32, #tpu.memory_space<hbm>> -> memref<125x80xi32, #tpu.memory_space<hbm>>
      tpu.enqueue_dma source(%dma_start3A_15 : memref<125x80xi32, #tpu.memory_space<hbm>>) target(%arg8 : memref<125x80xi32, #tpu.memory_space<vmem>>) target_semaphore(%run_scoped3A : memref<!tpu.dma_semaphore, #tpu.memory_space<semaphore_mem>>)
      %dma_wait3A = arith.constant 0 : i32
      %dma_wait3A_16 = arith.constant 0 : i32
      %dma_wait3A_17 = tpu.memref_slice %arg5[%add3A, %dma_wait3A, %dma_wait3A_16] : memref<32x125x80xi32, #tpu.memory_space<hbm>> -> memref<1x125x80xi32, #tpu.memory_space<hbm>>
      %dma_wait3A_18 = tpu.memref_squeeze %dma_wait3A_17 : memref<1x125x80xi32, #tpu.memory_space<hbm>> -> memref<125x80xi32, #tpu.memory_space<hbm>>
      %dma_wait3A_19 = arith.constant 0 : i32
      %dma_wait3A_20 = arith.constant 0 : i32
      %dma_wait3A_21 = tpu.memref_slice %arg5[%add3A, %dma_wait3A_19, %dma_wait3A_20] : memref<32x125x80xi32, #tpu.memory_space<hbm>> -> memref<1x125x80xi32, #tpu.memory_space<hbm>>
      %dma_wait3A_22 = tpu.memref_squeeze %dma_wait3A_21 : memref<1x125x80xi32, #tpu.memory_space<hbm>> -> memref<125x80xi32, #tpu.memory_space<hbm>>
      tpu.wait_dma2 semaphore(%run_scoped3A : memref<!tpu.dma_semaphore, #tpu.memory_space<semaphore_mem>>) src(%dma_wait3A_22 : memref<125x80xi32, #tpu.memory_space<hbm>>) dst(%arg8 : memref<125x80xi32, #tpu.memory_space<vmem>>)
      tpu.yield
    }) : () -> ()
    %scan3A = arith.constant 0 : i32
    %scan3A_3 = arith.constant 0 : i32
    %scan3A_4 = arith.constant 125 : i32
    %scan3A_5 = arith.addi %scan3A_3, %scan3A_4 : i32
    %scan3A_6 = arith.constant 1 : i32
    %scan3A_7 = scf.for %scan3A_9 = %scan3A_3 to %scan3A_5 step %scan3A_6 iter_args(%scan3A_10 = %scan3A) -> (i32)  : i32 {
      %dma_start3A = arith.constant 0 : i32
      %dma_start3A_11 = tpu.memref_slice %arg7[%scan3A_9, %dma_start3A] : memref<125x80xi32, #tpu.memory_space<vmem>> -> memref<1x80xi32, #tpu.memory_space<vmem>>
      %dma_start3A_12 = tpu.memref_squeeze %dma_start3A_11 : memref<1x80xi32, #tpu.memory_space<vmem>> -> memref<80xi32, #tpu.memory_space<vmem>>
      %dma_start3A_13 = arith.constant 0 : i32
      %dma_start3A_14 = arith.constant 0 : i32
      %dma_start3A_15 = tpu.memref_slice %arg2[%dma_start3A_13, %dma_start3A_14] : memref<10000x16xf32, #tpu.memory_space<hbm>> -> memref<10000x16xf32, #tpu.memory_space<hbm>>
      tpu.enqueue_indirect_dma source(%dma_start3A_15 : memref<10000x16xf32, #tpu.memory_space<hbm>>) target(%arg9 : memref<80x16xf32, #tpu.memory_space<vmem>>) offsets(%dma_start3A_12 : memref<80xi32, #tpu.memory_space<vmem>>) semaphore(%arg11 : memref<!tpu.dma_semaphore, #tpu.memory_space<semaphore_mem>>)
      %dma_start3A_16 = arith.constant 0 : i32
      %dma_start3A_17 = tpu.memref_slice %arg8[%scan3A_9, %dma_start3A_16] : memref<125x80xi32, #tpu.memory_space<vmem>> -> memref<1x80xi32, #tpu.memory_space<vmem>>
      %dma_start3A_18 = tpu.memref_squeeze %dma_start3A_17 : memref<1x80xi32, #tpu.memory_space<vmem>> -> memref<80xi32, #tpu.memory_space<vmem>>
      %dma_start3A_19 = arith.constant 0 : i32
      %dma_start3A_20 = arith.constant 0 : i32
      %dma_start3A_21 = tpu.memref_slice %arg3[%dma_start3A_19, %dma_start3A_20] : memref<10000x16xf32, #tpu.memory_space<hbm>> -> memref<10000x16xf32, #tpu.memory_space<hbm>>
      tpu.enqueue_indirect_dma source(%dma_start3A_21 : memref<10000x16xf32, #tpu.memory_space<hbm>>) target(%arg10 : memref<80x16xf32, #tpu.memory_space<vmem>>) offsets(%dma_start3A_18 : memref<80xi32, #tpu.memory_space<vmem>>) semaphore(%arg12 : memref<!tpu.dma_semaphore, #tpu.memory_space<semaphore_mem>>)
      %dma_wait3A = arith.constant 0 : i32
      %dma_wait3A_22 = tpu.memref_slice %arg7[%scan3A_9, %dma_wait3A] : memref<125x80xi32, #tpu.memory_space<vmem>> -> memref<1x80xi32, #tpu.memory_space<vmem>>
      %dma_wait3A_23 = tpu.memref_squeeze %dma_wait3A_22 : memref<1x80xi32, #tpu.memory_space<vmem>> -> memref<80xi32, #tpu.memory_space<vmem>>
      %dma_wait3A_24 = arith.constant 0 : i32
      %dma_wait3A_25 = arith.constant 0 : i32
      %dma_wait3A_26 = tpu.memref_slice %arg2[%dma_wait3A_24, %dma_wait3A_25] : memref<10000x16xf32, #tpu.memory_space<hbm>> -> memref<10000x16xf32, #tpu.memory_space<hbm>>
      tpu.wait_indirect_dma semaphore(%arg11 : memref<!tpu.dma_semaphore, #tpu.memory_space<semaphore_mem>>) src(%dma_wait3A_26 : memref<10000x16xf32, #tpu.memory_space<hbm>>) dst(%arg9 : memref<80x16xf32, #tpu.memory_space<vmem>>)
      %dma_wait3A_27 = arith.constant 0 : i32
      %dma_wait3A_28 = tpu.memref_slice %arg8[%scan3A_9, %dma_wait3A_27] : memref<125x80xi32, #tpu.memory_space<vmem>> -> memref<1x80xi32, #tpu.memory_space<vmem>>
      %dma_wait3A_29 = tpu.memref_squeeze %dma_wait3A_28 : memref<1x80xi32, #tpu.memory_space<vmem>> -> memref<80xi32, #tpu.memory_space<vmem>>
      %dma_wait3A_30 = arith.constant 0 : i32
      %dma_wait3A_31 = arith.constant 0 : i32
      %dma_wait3A_32 = tpu.memref_slice %arg3[%dma_wait3A_30, %dma_wait3A_31] : memref<10000x16xf32, #tpu.memory_space<hbm>> -> memref<10000x16xf32, #tpu.memory_space<hbm>>
      tpu.wait_indirect_dma semaphore(%arg12 : memref<!tpu.dma_semaphore, #tpu.memory_space<semaphore_mem>>) src(%dma_wait3A_32 : memref<10000x16xf32, #tpu.memory_space<hbm>>) dst(%arg10 : memref<80x16xf32, #tpu.memory_space<vmem>>)
      %scan3A_33 = arith.constant 0 : i32
      %scan3A_34 = arith.constant 0 : i32
      %scan3A_35 = arith.constant 80 : i32
      %scan3A_36 = arith.addi %scan3A_34, %scan3A_35 : i32
      %scan3A_37 = arith.constant 1 : i32
      %scan3A_38 = scf.for %scan3A_44 = %scan3A_34 to %scan3A_36 step %scan3A_37 iter_args(%scan3A_45 = %scan3A_33) -> (i32)  : i32 {
        %get3A = arith.index_cast %scan3A_44 : i32 to index
        %get3A_46 = arith.constant 0 : index
        %get3A_47 = tpu.vector_load %arg9[%get3A, %get3A_46] {strides = array<i32>} : memref<80x16xf32, #tpu.memory_space<vmem>>, vector<16xf32>,
        %get3A_48 = arith.index_cast %scan3A_44 : i32 to index
        %get3A_49 = arith.constant 0 : index
        %get3A_50 = tpu.vector_load %arg10[%get3A_48, %get3A_49] {strides = array<i32>} : memref<80x16xf32, #tpu.memory_space<vmem>>, vector<16xf32>,
        %add3A_51 = arith.addf %get3A_47, %get3A_50 : vector<16xf32>
        %swap3A = arith.index_cast %scan3A_44 : i32 to index
        %swap3A_52 = arith.constant 0 : index
        %swap3A_53 = tpu.vector_load %arg9[%swap3A, %swap3A_52] {strides = array<i32>} : memref<80x16xf32, #tpu.memory_space<vmem>>, vector<16xf32>,
        tpu.vector_store %arg9[%swap3A, %swap3A_52], %add3A_51 {strides = array<i32>} : memref<80x16xf32, #tpu.memory_space<vmem>>, vector<16xf32>,
        %scan3A_54 = arith.constant 0 : i32
        scf.yield %scan3A_54 : i32
      }
      %scan3A_39 = arith.constant 80 : i32
      %mul3A_40 = arith.constant 80 : i32
      %mul3A_41 = arith.muli %scan3A_9, %mul3A_40 : i32
      %add3A_42 = arith.addi %mul3A_2, %mul3A_41 : i32
      "tpu.region"() ({
        %run_scoped3A = tpu.sem_alloc : memref<!tpu.dma_semaphore, #tpu.memory_space<semaphore_mem>>
        %dma_start3A_44 = arith.constant 0 : i32
        %dma_start3A_45 = tpu.memref_slice %arg6[%add3A_42, %dma_start3A_44] : memref<320000x16xf32, #tpu.memory_space<hbm>> -> memref<80x16xf32, #tpu.memory_space<hbm>>
        %dma_start3A_46 = arith.constant 0 : i32
        %dma_start3A_47 = tpu.memref_slice %arg6[%add3A_42, %dma_start3A_46] : memref<320000x16xf32, #tpu.memory_space<hbm>> -> memref<80x16xf32, #tpu.memory_space<hbm>>
        tpu.enqueue_dma source(%arg9 : memref<80x16xf32, #tpu.memory_space<vmem>>) target(%dma_start3A_47 : memref<80x16xf32, #tpu.memory_space<hbm>>) target_semaphore(%run_scoped3A : memref<!tpu.dma_semaphore, #tpu.memory_space<semaphore_mem>>)
        %dma_wait3A_48 = arith.constant 0 : i32
        %dma_wait3A_49 = tpu.memref_slice %arg6[%add3A_42, %dma_wait3A_48] : memref<320000x16xf32, #tpu.memory_space<hbm>> -> memref<80x16xf32, #tpu.memory_space<hbm>>
        %dma_wait3A_50 = arith.constant 0 : i32
        %dma_wait3A_51 = tpu.memref_slice %arg6[%add3A_42, %dma_wait3A_50] : memref<320000x16xf32, #tpu.memory_space<hbm>> -> memref<80x16xf32, #tpu.memory_space<hbm>>
        tpu.wait_dma2 semaphore(%run_scoped3A : memref<!tpu.dma_semaphore, #tpu.memory_space<semaphore_mem>>) src(%arg9 : memref<80x16xf32, #tpu.memory_space<vmem>>) dst(%dma_wait3A_51 : memref<80x16xf32, #tpu.memory_space<hbm>>)
        tpu.yield
      }) : () -> ()
      %scan3A_43 = arith.constant 0 : i32
      scf.yield %scan3A_43 : i32
    }
    %scan3A_8 = arith.constant 125 : i32
    return
  }
}

module attributes {stable_mosaic.version = 14 : i64} {
  func.func @_tc_prep_body(%arg0: memref<10000x128xf32, #tpu.memory_space<vmem>>, %arg1: memref<128x16xf32, #tpu.memory_space<vmem>>, %arg2: memref<32x10000xf32, #tpu.memory_space<vmem>>, %arg3: memref<10000x16xf32, #tpu.memory_space<vmem>>, %arg4: memref<10000x16xf32, #tpu.memory_space<vmem>>) attributes {dimension_semantics = [], scalar_prefetch = 0 : i64, scratch_operands = 0 : i64, tpu.core_type = #tpu.core_type<tc>} {
    %get3A = arith.constant 0 : index
    %get3A_0 = arith.constant 0 : index
    %get3A_1 = vector.load %arg0[%get3A, %get3A_0] : memref<10000x128xf32, #tpu.memory_space<vmem>>, vector<10000x128xf32>
    %get3A_2 = arith.constant 0 : index
    %get3A_3 = arith.constant 0 : index
    %get3A_4 = vector.load %arg1[%get3A_2, %get3A_3] : memref<128x16xf32, #tpu.memory_space<vmem>>, vector<128x16xf32>
    %dot_general3A = arith.constant dense<0.000000e+00> : vector<10000x16xf32>
    %dot_general3A_5 = tpu.matmul %get3A_1, %get3A_4, %dot_general3A {dimension_numbers = #tpu.dot_dimension_numbers<[1], [0], [0], [1], [0, 0, 1, 1], [], []>, transpose_lhs_hint = false} : vector<10000x128xf32>, vector<128x16xf32>, vector<10000x16xf32> -> vector<10000x16xf32>
    %get3A_6 = arith.constant 0 : index
    %get3A_7 = arith.constant 0 : index
    %get3A_8 = vector.load %arg2[%get3A_6, %get3A_7] : memref<32x10000xf32, #tpu.memory_space<vmem>>, vector<32x10000xf32>
    %reduce_sum3A = arith.constant dense<0.000000e+00> : vector<10000xf32>
    %reduce_sum3A_9 = vector.multi_reduction <add>, %get3A_8, %reduce_sum3A [0] : vector<32x10000xf32> to vector<10000xf32>
    %add3A = arith.constant 1.000000e+00 : f32
    %add3A_10 = vector.broadcast %add3A : f32 to vector<10000xf32>
    %add3A_11 = arith.addf %reduce_sum3A_9, %add3A_10 : vector<10000xf32>
    %rsqrt3A = math.rsqrt %add3A_11 : vector<10000xf32>
    %broadcast_in_dim3A = vector.shape_cast %rsqrt3A : vector<10000xf32> to vector<10000x1xf32>
    %broadcast_in_dim3A_12 = vector.shape_cast %broadcast_in_dim3A : vector<10000x1xf32> to vector<10000x1xf32>
    %broadcast_in_dim3A_13 = vector.broadcast %broadcast_in_dim3A_12 : vector<10000x1xf32> to vector<10000x16xf32>
    %swap3A = arith.constant 0 : index
    %swap3A_14 = arith.constant 0 : index
    %swap3A_15 = vector.load %arg3[%swap3A, %swap3A_14] : memref<10000x16xf32, #tpu.memory_space<vmem>>, vector<10000x16xf32>
    tpu.vector_store %arg3[%swap3A, %swap3A_14], %broadcast_in_dim3A_13 {strides = array<i32>} : memref<10000x16xf32, #tpu.memory_space<vmem>>, vector<10000x16xf32>,
    %mul3A = arith.mulf %broadcast_in_dim3A_13, %dot_general3A_5 : vector<10000x16xf32>
    %swap3A_16 = arith.constant 0 : index
    %swap3A_17 = arith.constant 0 : index
    %swap3A_18 = vector.load %arg4[%swap3A_16, %swap3A_17] : memref<10000x16xf32, #tpu.memory_space<vmem>>, vector<10000x16xf32>
    tpu.vector_store %arg4[%swap3A_16, %swap3A_17], %mul3A {strides = array<i32>} : memref<10000x16xf32, #tpu.memory_space<vmem>>, vector<10000x16xf32>,
    return
  }
}

module attributes {stable_mosaic.version = 14 : i64} {
  func.func @_tc_mid_body(%arg0: memref<2x10240x16xf32, #tpu.memory_space<vmem>>, %arg1: memref<10000x16xf32, #tpu.memory_space<vmem>>, %arg2: memref<10000x16xf32, #tpu.memory_space<vmem>>, %arg3: memref<1x16xf32, #tpu.memory_space<vmem>>, %arg4: memref<16x16xf32, #tpu.memory_space<vmem>>, %arg5: memref<10000x16xf32, #tpu.memory_space<vmem>>) attributes {dimension_semantics = [], scalar_prefetch = 0 : i64, scratch_operands = 0 : i64, tpu.core_type = #tpu.core_type<tc>} {
    %get3A = arith.constant 0 : index
    %get3A_0 = arith.constant 0 : index
    %get3A_1 = arith.constant 0 : index
    %get3A_2 = vector.load %arg0[%get3A, %get3A_0, %get3A_1] : memref<2x10240x16xf32, #tpu.memory_space<vmem>>, vector<1x10000x16xf32>
    %get3A_3 = vector.shape_cast %get3A_2 : vector<1x10000x16xf32> to vector<10000x16xf32>
    %get3A_4 = arith.constant 1 : index
    %get3A_5 = arith.constant 0 : index
    %get3A_6 = arith.constant 0 : index
    %get3A_7 = vector.load %arg0[%get3A_4, %get3A_5, %get3A_6] : memref<2x10240x16xf32, #tpu.memory_space<vmem>>, vector<1x10000x16xf32>
    %get3A_8 = vector.shape_cast %get3A_7 : vector<1x10000x16xf32> to vector<10000x16xf32>
    %add3A = arith.addf %get3A_3, %get3A_8 : vector<10000x16xf32>
    %get3A_9 = arith.constant 0 : index
    %get3A_10 = arith.constant 0 : index
    %get3A_11 = vector.load %arg1[%get3A_9, %get3A_10] : memref<10000x16xf32, #tpu.memory_space<vmem>>, vector<10000x16xf32>
    %add3A_12 = arith.addf %add3A, %get3A_11 : vector<10000x16xf32>
    %get3A_13 = arith.constant 0 : index
    %get3A_14 = arith.constant 0 : index
    %get3A_15 = vector.load %arg2[%get3A_13, %get3A_14] : memref<10000x16xf32, #tpu.memory_space<vmem>>, vector<10000x16xf32>
    %mul3A = arith.mulf %get3A_15, %add3A_12 : vector<10000x16xf32>
    %get3A_16 = arith.constant 0 : index
    %get3A_17 = arith.constant 0 : index
    %get3A_18 = vector.load %arg3[%get3A_16, %get3A_17] : memref<1x16xf32, #tpu.memory_space<vmem>>, vector<1x16xf32>
    %add3A_19 = vector.broadcast %get3A_18 : vector<1x16xf32> to vector<10000x16xf32>
    %add3A_20 = arith.addf %mul3A, %add3A_19 : vector<10000x16xf32>
    %max3A = arith.constant 0.000000e+00 : f32
    %max3A_21 = vector.broadcast %max3A : f32 to vector<10000x16xf32>
    %max3A_22 = arith.maximumf %add3A_20, %max3A_21 : vector<10000x16xf32>
    %get3A_23 = arith.constant 0 : index
    %get3A_24 = arith.constant 0 : index
    %get3A_25 = vector.load %arg2[%get3A_23, %get3A_24] : memref<10000x16xf32, #tpu.memory_space<vmem>>, vector<10000x16xf32>
    %get3A_26 = arith.constant 0 : index
    %get3A_27 = arith.constant 0 : index
    %get3A_28 = vector.load %arg4[%get3A_26, %get3A_27] : memref<16x16xf32, #tpu.memory_space<vmem>>, vector<16x16xf32>
    %dot_general3A = arith.constant dense<0.000000e+00> : vector<10000x16xf32>
    %dot_general3A_29 = tpu.matmul %max3A_22, %get3A_28, %dot_general3A {dimension_numbers = #tpu.dot_dimension_numbers<[1], [0], [0], [1], [0, 0, 1, 1], [], []>, transpose_lhs_hint = false} : vector<10000x16xf32>, vector<16x16xf32>, vector<10000x16xf32> -> vector<10000x16xf32>
    %mul3A_30 = arith.mulf %get3A_25, %dot_general3A_29 : vector<10000x16xf32>
    %swap3A = arith.constant 0 : index
    %swap3A_31 = arith.constant 0 : index
    %swap3A_32 = vector.load %arg5[%swap3A, %swap3A_31] : memref<10000x16xf32, #tpu.memory_space<vmem>>, vector<10000x16xf32>
    tpu.vector_store %arg5[%swap3A, %swap3A_31], %mul3A_30 {strides = array<i32>} : memref<10000x16xf32, #tpu.memory_space<vmem>>, vector<10000x16xf32>,
    return
  }
}

module attributes {stable_mosaic.version = 14 : i64} {
  func.func @_tc_post_body(%arg0: memref<2x10240x16xf32, #tpu.memory_space<vmem>>, %arg1: memref<10000x16xf32, #tpu.memory_space<vmem>>, %arg2: memref<10000x16xf32, #tpu.memory_space<vmem>>, %arg3: memref<1x16xf32, #tpu.memory_space<vmem>>, %arg4: memref<32x16xf32, #tpu.memory_space<vmem>>, %arg5: memref<1x16xf32, #tpu.memory_space<vmem>>, %arg6: memref<10000x16xf32, #tpu.memory_space<vmem>>, %arg7: memref<10000x16xf32, #tpu.memory_space<vmem>>) attributes {dimension_semantics = [], scalar_prefetch = 0 : i64, scratch_operands = 0 : i64, tpu.core_type = #tpu.core_type<tc>} {
    %get3A = arith.constant 0 : index
    %get3A_0 = arith.constant 0 : index
    %get3A_1 = arith.constant 0 : index
    %get3A_2 = vector.load %arg0[%get3A, %get3A_0, %get3A_1] : memref<2x10240x16xf32, #tpu.memory_space<vmem>>, vector<1x10000x16xf32>
    %get3A_3 = vector.shape_cast %get3A_2 : vector<1x10000x16xf32> to vector<10000x16xf32>
    %get3A_4 = arith.constant 1 : index
    %get3A_5 = arith.constant 0 : index
    %get3A_6 = arith.constant 0 : index
    %get3A_7 = vector.load %arg0[%get3A_4, %get3A_5, %get3A_6] : memref<2x10240x16xf32, #tpu.memory_space<vmem>>, vector<1x10000x16xf32>
    %get3A_8 = vector.shape_cast %get3A_7 : vector<1x10000x16xf32> to vector<10000x16xf32>
    %add3A = arith.addf %get3A_3, %get3A_8 : vector<10000x16xf32>
    %get3A_9 = arith.constant 0 : index
    %get3A_10 = arith.constant 0 : index
    %get3A_11 = vector.load %arg1[%get3A_9, %get3A_10] : memref<10000x16xf32, #tpu.memory_space<vmem>>, vector<10000x16xf32>
    %add3A_12 = arith.addf %add3A, %get3A_11 : vector<10000x16xf32>
    %get3A_13 = arith.constant 0 : index
    %get3A_14 = arith.constant 0 : index
    %get3A_15 = vector.load %arg2[%get3A_13, %get3A_14] : memref<10000x16xf32, #tpu.memory_space<vmem>>, vector<10000x16xf32>
    %mul3A = arith.mulf %get3A_15, %add3A_12 : vector<10000x16xf32>
    %get3A_16 = arith.constant 0 : index
    %get3A_17 = arith.constant 0 : index
    %get3A_18 = vector.load %arg3[%get3A_16, %get3A_17] : memref<1x16xf32, #tpu.memory_space<vmem>>, vector<1x16xf32>
    %add3A_19 = vector.broadcast %get3A_18 : vector<1x16xf32> to vector<10000x16xf32>
    %add3A_20 = arith.addf %mul3A, %add3A_19 : vector<10000x16xf32>
    %max3A = arith.constant 0.000000e+00 : f32
    %max3A_21 = vector.broadcast %max3A : f32 to vector<10000x16xf32>
    %max3A_22 = arith.maximumf %add3A_20, %max3A_21 : vector<10000x16xf32>
    %get3A_23 = arith.constant 0 : index
    %get3A_24 = arith.constant 0 : index
    %get3A_25 = vector.load %arg4[%get3A_23, %get3A_24] : memref<32x16xf32, #tpu.memory_space<vmem>>, vector<16x16xf32>
    %dot_general3A = arith.constant dense<0.000000e+00> : vector<10000x16xf32>
    %dot_general3A_26 = tpu.matmul %max3A_22, %get3A_25, %dot_general3A {dimension_numbers = #tpu.dot_dimension_numbers<[1], [0], [0], [1], [0, 0, 1, 1], [], []>, transpose_lhs_hint = false} : vector<10000x16xf32>, vector<16x16xf32>, vector<10000x16xf32> -> vector<10000x16xf32>
    %get3A_27 = arith.constant 0 : index
    %get3A_28 = arith.constant 0 : index
    %get3A_29 = vector.load %arg5[%get3A_27, %get3A_28] : memref<1x16xf32, #tpu.memory_space<vmem>>, vector<1x16xf32>
    %add3A_30 = vector.broadcast %get3A_29 : vector<1x16xf32> to vector<10000x16xf32>
    %add3A_31 = arith.addf %dot_general3A_26, %add3A_30 : vector<10000x16xf32>
    %swap3A = arith.constant 0 : index
    %swap3A_32 = arith.constant 0 : index
    %swap3A_33 = vector.load %arg6[%swap3A, %swap3A_32] : memref<10000x16xf32, #tpu.memory_space<vmem>>, vector<10000x16xf32>
    tpu.vector_store %arg6[%swap3A, %swap3A_32], %add3A_31 {strides = array<i32>} : memref<10000x16xf32, #tpu.memory_space<vmem>>, vector<10000x16xf32>,
    %get3A_34 = arith.constant 16 : index
    %get3A_35 = arith.constant 0 : index
    %get3A_36 = vector.load %arg4[%get3A_34, %get3A_35] : memref<32x16xf32, #tpu.memory_space<vmem>>, vector<16x16xf32>
    %dot_general3A_37 = arith.constant dense<0.000000e+00> : vector<10000x16xf32>
    %dot_general3A_38 = tpu.matmul %max3A_22, %get3A_36, %dot_general3A_37 {dimension_numbers = #tpu.dot_dimension_numbers<[1], [0], [0], [1], [0, 0, 1, 1], [], []>, transpose_lhs_hint = false} : vector<10000x16xf32>, vector<16x16xf32>, vector<10000x16xf32> -> vector<10000x16xf32>
    %swap3A_39 = arith.constant 0 : index
    %swap3A_40 = arith.constant 0 : index
    %swap3A_41 = vector.load %arg7[%swap3A_39, %swap3A_40] : memref<10000x16xf32, #tpu.memory_space<vmem>>, vector<10000x16xf32>
    tpu.vector_store %arg7[%swap3A_39, %swap3A_40], %dot_general3A_38 {strides = array<i32>} : memref<10000x16xf32, #tpu.memory_space<vmem>>, vector<10000x16xf32>,
    return
  }
}

module attributes {stable_mosaic.version = 14 : i64} {
  func.func @_tc_final_body(%arg0: i32, %arg1: memref<4000x16xf32, #tpu.memory_space<vmem>>, %arg2: memref<16x16xf32, #tpu.memory_space<vmem>>, %arg3: memref<1x16xf32, #tpu.memory_space<vmem>>, %arg4: memref<4000x16xf32, #tpu.memory_space<vmem>>) attributes {dimension_semantics = [#tpu.dimension_semantics<arbitrary>], iteration_bounds = array<i64: 80>, scalar_prefetch = 0 : i64, scratch_operands = 0 : i64, tpu.core_type = #tpu.core_type<tc>, window_params = [{transform_indices = @transform_0, window_bounds = array<i64: 4000, 16>}, {pipeline_mode = #tpu.pipeline_mode<synchronous>, transform_indices = @transform_1, window_bounds = array<i64: 16, 16>}, {pipeline_mode = #tpu.pipeline_mode<synchronous>, transform_indices = @transform_2, window_bounds = array<i64: 1, 16>}, {transform_indices = @transform_3, window_bounds = array<i64: 4000, 16>}]} {
    %get3A = arith.constant 0 : index
    %get3A_0 = arith.constant 0 : index
    %get3A_1 = vector.load %arg1[%get3A, %get3A_0] : memref<4000x16xf32, #tpu.memory_space<vmem>>, vector<4000x16xf32>
    %max3A = arith.constant 0.000000e+00 : f32
    %max3A_2 = vector.broadcast %max3A : f32 to vector<4000x16xf32>
    %max3A_3 = arith.maximumf %get3A_1, %max3A_2 : vector<4000x16xf32>
    %get3A_4 = arith.constant 0 : index
    %get3A_5 = arith.constant 0 : index
    %get3A_6 = vector.load %arg2[%get3A_4, %get3A_5] : memref<16x16xf32, #tpu.memory_space<vmem>>, vector<16x16xf32>
    %dot_general3A = arith.constant dense<0.000000e+00> : vector<4000x16xf32>
    %dot_general3A_7 = tpu.matmul %max3A_3, %get3A_6, %dot_general3A {dimension_numbers = #tpu.dot_dimension_numbers<[1], [0], [0], [1], [0, 0, 1, 1], [], []>, transpose_lhs_hint = false} : vector<4000x16xf32>, vector<16x16xf32>, vector<4000x16xf32> -> vector<4000x16xf32>
    %get3A_8 = arith.constant 0 : index
    %get3A_9 = arith.constant 0 : index
    %get3A_10 = vector.load %arg3[%get3A_8, %get3A_9] : memref<1x16xf32, #tpu.memory_space<vmem>>, vector<1x16xf32>
    %add3A = vector.broadcast %get3A_10 : vector<1x16xf32> to vector<4000x16xf32>
    %add3A_11 = arith.addf %dot_general3A_7, %add3A : vector<4000x16xf32>
    %reduce_max3A = arith.constant dense<0xFF800000> : vector<4000xf32>
    %reduce_max3A_12 = vector.multi_reduction <maximumf>, %add3A_11, %reduce_max3A [1] : vector<4000x16xf32> to vector<4000xf32>
    %broadcast_in_dim3A = vector.shape_cast %reduce_max3A_12 : vector<4000xf32> to vector<4000x1xf32>
    %sub3A = vector.broadcast %broadcast_in_dim3A : vector<4000x1xf32> to vector<4000x16xf32>
    %sub3A_13 = arith.subf %add3A_11, %sub3A : vector<4000x16xf32>
    %exp3A = math.exp %sub3A_13 : vector<4000x16xf32>
    %reduce_sum3A = arith.constant dense<0.000000e+00> : vector<4000xf32>
    %reduce_sum3A_14 = vector.multi_reduction <add>, %exp3A, %reduce_sum3A [1] : vector<4000x16xf32> to vector<4000xf32>
    %broadcast_in_dim3A_15 = vector.shape_cast %reduce_sum3A_14 : vector<4000xf32> to vector<4000x1xf32>
    %log3A = math.log %broadcast_in_dim3A_15 : vector<4000x1xf32>
    %sub3A_16 = vector.broadcast %log3A : vector<4000x1xf32> to vector<4000x16xf32>
    %sub3A_17 = arith.subf %sub3A_13, %sub3A_16 : vector<4000x16xf32>
    %swap3A = arith.constant 0 : index
    %swap3A_18 = arith.constant 0 : index
    %swap3A_19 = vector.load %arg4[%swap3A, %swap3A_18] : memref<4000x16xf32, #tpu.memory_space<vmem>>, vector<4000x16xf32>
    tpu.vector_store %arg4[%swap3A, %swap3A_18], %sub3A_17 {strides = array<i32>} : memref<4000x16xf32, #tpu.memory_space<vmem>>, vector<4000x16xf32>,
    return
  }
  func.func @transform_0(%arg0: i32) -> (i32, i32) {
    %c0_i32 = arith.constant 0 : i32
    %c0_i32_0 = arith.constant 0 : i32
    return %arg0, %c0_i32 : i32, i32
  }
  func.func @transform_1(%arg0: i32) -> (i32, i32) {
    %c0_i32 = arith.constant 0 : i32
    %c0_i32_0 = arith.constant 0 : i32
    %c0_i32_1 = arith.constant 0 : i32
    return %c0_i32, %c0_i32_0 : i32, i32
  }
  func.func @transform_2(%arg0: i32) -> (i32, i32) {
    %c0_i32 = arith.constant 0 : i32
    %c0_i32_0 = arith.constant 0 : i32
    %c0_i32_1 = arith.constant 0 : i32
    return %c0_i32, %c0_i32_0 : i32, i32
  }
  func.func @transform_3(%arg0: i32) -> (i32, i32) {
    %c0_i32 = arith.constant 0 : i32
    %c0_i32_0 = arith.constant 0 : i32
    return %arg0, %c0_i32 : i32, i32
  }
}

</mosaic_0001>

<sc_bundles>
// kernel: kernel.10.cloned.1.call-start
scs
__scs_entry_jumppad:
0x0: {  	(pc) =	sbr.rel $0x88, $3  }
0x1: {  	(tag) =	ssettag $0x0;
	lr =	simm.s32 $0x1  }
0x2: {  	[smem:$0x3F97] =	sst lr;
	_ =	strace $0xD0000000  }
0x3: {  	_ = 	snop  }
0x4: {  	_ = 	snop  }
0x5: {  	_ = 	snop  }
0x6: {  	_ = 	snop  }
0x7: {  	_ = 	snop  }
__scs_overlays_trampoline_lowered:
0x8: {  	[smem:$0x3FA6] =	sst s0  }
0x9: {  	[smem:$0x3FA7] =	sst s1  }
0xa: {  	[smem:$0x3FA8] =	sst s2  }
0xb: {  	[smem:$0x3FA9] =	sst s3  }
0xc: {  	[smem:$0x3FAA] =	sst s4  }
0xd: {  	[smem:$0x3FAB] =	sst s5  }
0xe: {  	[smem:$0x3FAC] =	sst s6  }
0xf: {  	[smem:$0x3FAD] =	sst s7  }
0x10: {  	[smem:$0x3FAE] =	sst s8  }
0x11: {  	[smem:$0x3FAF] =	sst s9;
	s0 =	simm.s32 @!p0 $0x0  }
0x12: {  	s1 =	sld [smem:$0x3F95];
	s0 =	simm.s32 @p0 $0x1  }
0x13: {  	[smem:$0x3FB0] =	sst s0;
	s0 =	simm.s32 @!p1 $0x0  }
0x14: {  	s2 =	sld [smem:$0x3F94];
	s0 =	simm.s32 @p1 $0x1  }
0x15: {  	[smem:$0x3FB1] =	sst s0;
	s0 =	simm.s32 @!p2 $0x0  }
0x16: {  	s3 =	sld [smem:$0x3FDB];
	s0 =	simm.s32 @p2 $0x1  }
0x17: {  	s4 =	simm.s32 $0x1BF5;
	[smem:$0x3FB3] =	sst s0  }
0x18: {  	s0 =	sld [smem:$0x3F96];
	_ =	swait.ge [sflag:s4], $0x0  }
0x19: {  	s7 =	sld [smem:$0x3F97]  }
0x1a: {  	s8 =	sadd.s32 $0xFFFFE003, lr  }
0x1b: {  	s9 =	sadd.s32 $0xFFFFFEF7, lr;
	s5 =	simm.s32 $0xFFFFFFFF;
	p2 =	slt.u32 s8, $0xFFFFF086  }
0x1c: {  	p1 =	slt.u32 s9, $0xF7A;
	s5 =	simm.s32 @!p2 $0x0  }
0x1d: {  	s5 =	simm.s32 @p1 $0x1;
	p0 =	seq.s32 s7, s2  }
0x1e: {  	s7 =	smul.u32 @!p0 $0xF7A, s2;
	p2 =	seq.s32 @!p0 s5, $0x0  }
0x1f: {  	s9 =	smul.u32 $0xF7A, s1;
	s8 =	simm.s32 @!p0 $0x1BF5;
	p2 =	por !p2, p0  }
0x20: {  	[sflag:s8] =	ssyncset.s32 @!p0 $0xFFFFF086;
	s6 =	sadd.s32 @!p0 s3, s7;
	s7 =	simm.s32 @!p0 $0x108  }
0x21: {  	s3 =	sadd.s32 s3, s9;
	s6 =	sadd.s32 @!p0 $0x88, s6;
	s7 =	simm.s32 @p2 $0x1082  }
0x22: {  	[simem:s7], [sflag:s8] =	dma.local @!p0 [hbm:s6], $0xF7A  }
0x23: {  	s9 =	sor.u32 $0xD0000000, s2;
	s6 =	simm.s32 $0x108;
	_ =	swait.ge @!p0 [sflag:s8], $0x0  }
0x24: {  	s3 =	sadd.s32 $0x88, s3;
	s6 =	simm.s32 @!p1 $0x1082;
	[sflag:s4] =	ssyncset.s32 $0xFFFFF086  }
0x25: {  	[simem:s6], [sflag:s4] =	dma.local [hbm:s3], $0xF7A  }
0x26: {  	[smem:$0x3F97] =	sst s1;
	(tag) =	ssettag s2;
	_ =	strace s9  }
0x27: {  	s1 =	sld [smem:$0x3FA7]  }
0x28: {  	s2 =	sld [smem:$0x3FA8]  }
0x29: {  	s4 =	sld [smem:$0x3FAA]  }
0x2a: {  	p0 =	seq.s32 s5, $0x0;
	s5 =	sld [smem:$0x3FAB]  }
0x2b: {  	s6 =	sld [smem:$0x3FAC]  }
0x2c: {  	s7 =	sld [smem:$0x3FAD]  }
0x2d: {  	s3 =	simm.s32 $0x108;
	s8 =	sld [smem:$0x3FAE]  }
0x2e: {  	s3 =	simm.s32 @!p0 $0x1082;
	s9 =	sld [smem:$0x3FAF]  }
0x2f: {  	lr =	sadd.s32 s0, s3;
	s0 =	sld [smem:$0x3FA6]  }
0x30: {  	s3 =	sld [smem:$0x3FA9]  }
0x31: {  	[smem:$0x3FB2] =	sst s10  }
0x32: {  	s10 =	sld [smem:$0x3FB0];
	_ =	sdelay $0x3  }
0x33: {  	p0 =	seq.s32 s10, $0x1;
	s10 =	sld [smem:$0x3FB2];
	_ =	sdelay $0x3  }
0x34: {  	[smem:$0x3FB2] =	sst s10  }
0x35: {  	s10 =	sld [smem:$0x3FB1];
	_ =	sdelay $0x3  }
0x36: {  	p1 =	seq.s32 s10, $0x1;
	s10 =	sld [smem:$0x3FB2];
	_ =	sdelay $0x3  }
0x37: {  	[smem:$0x3FB2] =	sst s10  }
0x38: {  	s10 =	sld [smem:$0x3FB3]  }
0x39: {  	_ = 	snop;
	(pc) =	sbr.ind lr, $3  }
0x3a: {  	_ = 	snop  }
0x3b: {  	_ = 	snop  }
0x3c: {  	p2 =	seq.s32 s10, $0x1;
	s10 =	sld [smem:$0x3FB2]  }
0x3d: {  	_ =	shalt  }
0x3e: {  	_ =	shalt  }
0x3f: {  	_ =	shalt  }
0x40: {  	_ =	shalt  }
0x41: {  	_ =	shalt  }
0x42: {  	_ =	shalt  }
0x43: {  	_ =	shalt  }
0x44: {  	_ =	shalt  }
0x45: {  	_ =	shalt  }
0x46: {  	_ =	shalt  }
0x47: {  	_ =	shalt  }
0x48: {  	_ =	shalt  }
0x49: {  	_ =	shalt  }
0x4a: {  	_ =	shalt  }
0x4b: {  	_ =	shalt  }
0x4c: {  	_ =	shalt  }
0x4d: {  	_ =	shalt  }
0x4e: {  	_ =	shalt  }
0x4f: {  	_ =	shalt  }
0x50: {  	_ =	shalt  }
0x51: {  	_ =	shalt  }
0x52: {  	_ =	shalt  }
0x53: {  	_ =	shalt  }
0x54: {  	_ =	shalt  }
0x55: {  	_ =	shalt  }
0x56: {  	_ =	shalt  }
0x57: {  	_ =	shalt  }
0x58: {  	_ =	shalt  }
0x59: {  	_ =	shalt  }
0x5a: {  	_ =	shalt  }
0x5b: {  	_ =	shalt  }
0x5c: {  	_ =	shalt  }
0x5d: {  	_ =	shalt  }
0x5e: {  	_ =	shalt  }
0x5f: {  	_ =	shalt  }
0x60: {  	_ =	shalt  }
0x61: {  	_ =	shalt  }
0x62: {  	_ =	shalt  }
0x63: {  	_ =	shalt  }
0x64: {  	_ =	shalt  }
0x65: {  	_ =	shalt  }
0x66: {  	_ =	shalt  }
0x67: {  	_ =	shalt  }
0x68: {  	_ =	shalt  }
0x69: {  	_ =	shalt  }
0x6a: {  	_ =	shalt  }
0x6b: {  	_ =	shalt  }
0x6c: {  	_ =	shalt  }
0x6d: {  	_ =	shalt  }
0x6e: {  	_ =	shalt  }
0x6f: {  	_ =	shalt  }
0x70: {  	_ =	shalt  }
0x71: {  	_ =	shalt  }
0x72: {  	_ =	shalt  }
0x73: {  	_ =	shalt  }
0x74: {  	_ =	shalt  }
0x75: {  	_ =	shalt  }
0x76: {  	_ =	shalt  }
0x77: {  	_ =	shalt  }
0x78: {  	_ =	shalt  }
0x79: {  	_ =	shalt  }
0x7a: {  	_ =	shalt  }
0x7b: {  	_ =	shalt  }
0x7c: {  	_ =	shalt  }
0x7d: {  	_ =	shalt  }
0x7e: {  	_ =	shalt  }
0x7f: {  	_ =	shalt  }
0x80: {  	_ =	shalt  }
0x81: {  	_ =	shalt  }
0x82: {  	_ =	shalt  }
0x83: {  	_ =	shalt  }
0x84: {  	_ =	shalt  }
0x85: {  	_ =	shalt  }
0x86: {  	_ =	shalt  }
0x87: {  	_ =	shalt  }
.Lfunc_end0:
.L_simem_size_0:
called_computation_lowered:
.L_overlay_start_0:
0x88: {  	s2 =	sld [smem:$0x3FD9]  }
0x89: {  	s3 =	sld [smem:$0x3FFE];
	_ =	sdelay $0x1  }
0x8a: {  	s1 =	srdreg.scid  }
0x8b: {  	s0 =	sand.u32 $0x1, s1  }
0x8c: {  	s17 =	sshll.u32 s0, $0xA;
	s2 =	sadd.s32 s3, s2  }
0x8d: {  	s2 =	sadd.s32 s2, s17  }
0x8e: {  	[smem:$0x3FBE] =	sst s2  }
0x8f: {  	_ = 	snop  }
0x90: {  	s2 =	sld [smem:$0x3FD0];
	(tm) =	ssettm $0x1  }
0x91: {  	s18 =	sld [smem:$0x3FFB];
	_ =	sdelay $0x3  }
0x92: {  	_ =	strace s18  }
0x93: {  	s3 =	sld [smem:$0x3FFC];
	_ =	sdelay $0x3  }
0x94: {  	_ =	strace s3  }
0x95: {  	s3 =	sld [smem:$0x3FFD];
	_ =	sdelay $0x3  }
0x96: {  	_ =	strace s3  }
0x97: {  	_ =	strace $0x8FFFFFFF  }
0x98: {  	s19 =	sld [smem:$0x3FDB];
	_ =	sdelay $0x1  }
0x99: {  	s4 =	simm.s32 $_scs_section_size  }
0x9a: {  	s5 =	simm.s32 $_size__tile_overlayer_lowered;
	s6 =	simm.s32 $_tile_overlayer_lowered  }
0x9b: {  	s22 =	simm.s32 $0x1BFF;
	s21 =	sshll.u32 s6, $0x1;
	s3 =	sadd.s32 s4, s19  }
0x9c: {  	s7 =	simm.s32 $0x0;
	s20 =	sshll.u32 s5, $0x1;
	s5 =	sadd.s32 s21, s3  }
0x9d: {  	[timem:s7], [sflag:s22] =	dma.local [hbm:s5], s20  }
0x9e: {  	_ =	swait.ge [sflag:s22], s20  }
0x9f: {  	s4 =	ssub.s32 $0x0, s20;
	[sflag:s22] =	ssyncset.done $0x0  }
0xa0: {  	[sflag:s22] =	ssyncadd.s32 s4;
	_ =	sdelay $0x1  }
0xa1: {  	s23 =	simm.s32 $0x1B8B  }
0xa2: {  	_ =	swait.ge [sflag:s23], $0x1  }
0xa3: {  	[sflag:s23] =	ssyncset.done $0x0  }
0xa4: {  	s25 =	simm.s32 $0x1B8E;
	s24 =	sld [smem:$0x3FFE];
	[sflag:s23] =	ssyncadd.s32 $0xFFFFFFFF  }
0xa5: {  	s26 =	simm.s32 $execute0_lowered;
	[smem:$0x3FD2] =	sst s25  }
0xa6: {  	s5 =	sshll.u32 s26, $0x1;
	_ =	strace $0x80000046;
	[dreg:$0x1] =	wrdreg $0xFFFFFFFF  }
0xa7: {  	s28 =	simm.s32 $_size_execute0_lowered;
	s3 =	sadd.s32 s3, s5;
	[dreg:$0x0] =	wrdreg $0x0  }
0xa8: {  	s5 =	sshll.u32 s28, $0x1;
	[dreg:$0x2] =	wrdreg s3  }
0xa9: {  	[dreg:$0x3] =	wrdreg s5  }
0xaa: {  	[dreg:$0x4] =	wrdreg $0xC0  }
0xab: {  	_ =	task [dreg:s7], $0x5FFFF  }
0xac: {  	[dreg:$0x1] =	wrdreg $0xFFFFFFFF  }
0xad: {  	[dreg:$0x0] =	wrdreg $0x60  }
0xae: {  	[dreg:$0x2] =	wrdreg s24  }
0xaf: {  	[dreg:$0x3] =	wrdreg s2  }
0xb0: {  	[dreg:$0x4] =	wrdreg $0x9  }
0xb1: {  	_ =	task.clear_ibuf [dreg:s7], $0x5FFFF;
	_ =	strace $0x90000046  }
0xb2: {  	s29 =	simm.s32 $0x9;
	_ =	strace $0x80000048  }
0xb3: {  	_ =	swait.ge [sflag:s29], $0x1  }
0xb4: {  	[sflag:s29] =	ssyncadd.s32 $0xFFFFFFFF  }
0xb5: {  	_ =	strace $0x90000048  }
0xb6: {  	_ =	sfence  }
0xb7: {  	s30 =	sld [smem:$0x0];
	_ =	sdelay $0x2  }
0xb8: {  	s31 =	sshll.u32 s1, $0xD;
	s1 =	sshrl.u32 s1, $0x2  }
0xb9: {  	s3 =	sand.u32 $0x4000, s31;
	s1 =	sadd.s32 s1, s30  }
0xba: {  	s0 =	sor.u32 s3, s0;
	s1 =	sshll.u32 s1, $0x11  }
0xbb: {  	s0 =	sor.u32 s1, s0  }
0xbc: {  	s0 =	sadd.s32 $0x8F2B, s0  }
0xbd: {  	[sflag:s0] =	ssyncadd.remote.s32 $0x1  }
0xbe: {  	_ =	sfence.sel $0xFFFF  }
0xbf: {  	[dreg:$0x0] =	wrdreg $0xFFFFFFFF;
	(pc) =	sbr.abs _section_cstart, $3  }
0xc0: {  	[dreg:$0x1] =	wrdreg $0xFFFFFFFF  }
0xc1: {  	_ =	task.clear_ibuf [dreg:s7], $0x2FFFF;
	_ =	strace $0x9FFFFFFF  }
0xc2: {  	(tm) =	ssettm $0x7FFFFFFF  }
0xc3: {  	_ =	shalt  }
tec
execute0_lowered:
.L_overlay_start_1:
0x0: {  	(tag) =	ssettag $0x1  }
0x1: {  	s3 =	rddreg [dreg:$0x0];
	s1 =	srdreg.scid  }
0x2: {  	s0 =	stileid.u32;
	s4 =	rddreg [dreg:$0x1]  }
0x3: {  	s8 =	simm.s32 $0x0;
	s5 =	sand.u32 $0x1, s1;
	s2 =	sshll.u32 s0, $0x1  }
0x4: {  	s6 =	sor.u32 s5, s2;
	s2 =	simm.s32 $0x0;
	s5 =	ssub.s32 $0x2, s5  }
0x5: {  	s6 =	smul.u32 $0x4E2, s6;
	[smem:$0x7FF] =	sst s2;
	s7 =	sshrl.u32 s5, $0x1  }
0x6: {  	s1 =	rddreg [dreg:$0x2];
	_ =	strace $0x80000047;
	s5 =	ssub.s32 s5, s7  }
0x7: {  	s7 =	simm.s32 $0x2710;
	s3 =	sadd.s32 s6, s3;
	s4 =	sadd.s32 s4, s6  }
0x8: {  	v0 =	vimm.f32 $0.0e+00;
	v1 =	vimm.f32 $1.000000000e+00;
	s5 =	smax.u32 s5, $0x1;
	s6 =	simm.s32 $0x1;
	s3 =	sadd.s32 $0xC200, s3  }
.LBB2_1:
0x9: {  	[tilespmem:s2], [sflag:$0x1] =	stream.linear.gather [hbm4b:s3+s2], $0x2710, $0x38;
	[tilespmem:$0x4E20] =	vst v63  }
0xa: {  	_ =	swait.ge [sflag:s6], $0x2710  }
0xb: {  	[sflag:s6] =	ssyncset.done $0x0  }
0xc: {  	s9 =	simm.s32 $0x0;
	[sflag:s6] =	ssyncadd.s32 $0xFFFFD8F0  }
.LBB2_2:
0xd: {  	p0 =	sne.s32 s9, $0x9C00  }
.Ltmp0:
0xe: {  	_ = 	snop;
	(pc) =	sbr.rel @p0 .LBB2_2-.Ltmp0, $3  }
0xf: {  	_ =	sdelay $0x1  }
0x10: {  	s10 =	sshra.s32 s9, $0x2  }
0x11: {  	s9 =	sadd.s32 $0x40, s9;
	[tilespmem:s10+$0x2710] =	vst v0  }
0x12: {  	s10 =	simm.s32 $0x0;
	s9 =	simm.s32 $0x40  }
.LBB2_4:
0x13: {  	p0 =	sne.s32 s9, $0x9C00;
	v2 =	vld [tilespmem:s10+$0x0];
	_ =	sdelay $0x3  }
.Ltmp1:
0x14: {  	(pc) =	sbr.rel @p0 .LBB2_4-.Ltmp1, $2  }
0x15: {  	_ =	sdelay $0x2  }
0x16: {  	s10 =	sshra.s32 s9, $0x2;
	s9 =	sadd.s32 $0x40, s9;
	[tilespmem:v2+s7+$0x0] =	vst.idx.add.f32.msk $0xffff, v1  }
0x17: {  	v2 =	vld [tilespmem:s10+$0x0];
	_ =	sdelay $0x5  }
0x18: {  	s8 =	sadd.s32 $0x1, s8  }
0x19: {  	p0 =	sne.s32 s8, s5  }
.Ltmp2:
0x1a: {  	[tilespmem:v2+s7+$0x0] =	vst.idx.add.f32.msk $0xffff, v1;
	(pc) =	sbr.rel @p0 .LBB2_1-.Ltmp2, $4  }
0x1b: {  	[hbm4b:s4+s2] =	stream.linear.scatter [tilespmem:s7], [sflag:$0x1], $0x2710, $0x38;
	[tilespmem:$0x4E20] =	vst v63  }
0x1c: {  	_ =	swait.ge [sflag:s6], $0x2710  }
0x1d: {  	[sflag:s6] =	ssyncset.done $0x0  }
0x1e: {  	[sflag:s6] =	ssyncadd.s32 $0xFFFFD8F0  }
0x1f: {  	_ =	sfence.sel $0x180000  }
0x20: {  	[bflag:$0x0] =	sbarrier.arrive $0xFFFF  }
0x21: {  	p0 =	sne.s32 s0, $0x0;
	_ =	strace $0x90000047  }
0x22: {  	s0 =	sadd.s32 @!p0 $0x100000, s1;
	[bflag:$0x2] =	sbarrier.arrive $0xFFFF  }
0x23: {  	[sflag:s0] =	ssyncadd.tile.s32 @!p0 $0x1;
	_ =	shalt  }
.Lfunc_end2:
_tile_overlayer_lowered:
.L_overlay_start_2:
0x24: {  	(tag) =	ssettag $0x2  }
0x25: {  	s0 =	rddreg [dreg:$0x0];
	s2 =	stileid.u32  }
0x26: {  	s1 =	rddreg [dreg:$0x1];
	p0 =	sne.s32 s2, $0x0  }
0x27: {  	s3 =	rddreg [dreg:$0x2];
	[bflag:$0x3] =	sbarrier.arrive $0xFFFF;
	s2 =	simm.s32 @!p0 $0x1C01  }
0x28: {  	[timem:s3], [sflag:s2] =	dma.local @!p0 [hbm:s0], s1  }
0x29: {  	s0 =	simm.s32 @!p0 $0x1  }
0x2a: {  	_ =	swait.ge @!p0 [sflag:s0], s1  }
0x2b: {  	s1 =	ssub.s32 @!p0 $0x0, s1;
	[sflag:s0] =	ssyncset.done @!p0 $0x0  }
0x2c: {  	[sflag:s0] =	ssyncadd.s32 @!p0 s1  }
0x2d: {  	[bflag:$0x3] =	sbarrier.arrive $0xFFFF  }
0x2e: {  	_ =	shalt  }

// kernel: kernel.13.cloned.1.call-start
scs
__scs_entry_jumppad:
0x0: {  	(pc) =	sbr.rel $0x88, $3  }
0x1: {  	(tag) =	ssettag $0x0;
	lr =	simm.s32 $0x1  }
0x2: {  	[smem:$0x3F97] =	sst lr;
	_ =	strace $0xD0000000  }
0x3: {  	_ = 	snop  }
0x4: {  	_ = 	snop  }
0x5: {  	_ = 	snop  }
0x6: {  	_ = 	snop  }
0x7: {  	_ = 	snop  }
__scs_overlays_trampoline_lowered:
0x8: {  	[smem:$0x3FA6] =	sst s0  }
0x9: {  	[smem:$0x3FA7] =	sst s1  }
0xa: {  	[smem:$0x3FA8] =	sst s2  }
0xb: {  	[smem:$0x3FA9] =	sst s3  }
0xc: {  	[smem:$0x3FAA] =	sst s4  }
0xd: {  	[smem:$0x3FAB] =	sst s5  }
0xe: {  	[smem:$0x3FAC] =	sst s6  }
0xf: {  	[smem:$0x3FAD] =	sst s7  }
0x10: {  	[smem:$0x3FAE] =	sst s8  }
0x11: {  	[smem:$0x3FAF] =	sst s9;
	s0 =	simm.s32 @!p0 $0x0  }
0x12: {  	s1 =	sld [smem:$0x3F95];
	s0 =	simm.s32 @p0 $0x1  }
0x13: {  	[smem:$0x3FB0] =	sst s0;
	s0 =	simm.s32 @!p1 $0x0  }
0x14: {  	s2 =	sld [smem:$0x3F94];
	s0 =	simm.s32 @p1 $0x1  }
0x15: {  	[smem:$0x3FB1] =	sst s0;
	s0 =	simm.s32 @!p2 $0x0  }
0x16: {  	s3 =	sld [smem:$0x3FDB];
	s0 =	simm.s32 @p2 $0x1  }
0x17: {  	s4 =	simm.s32 $0x1BF5;
	[smem:$0x3FB3] =	sst s0  }
0x18: {  	s0 =	sld [smem:$0x3F96];
	_ =	swait.ge [sflag:s4], $0x0  }
0x19: {  	s7 =	sld [smem:$0x3F97]  }
0x1a: {  	s8 =	sadd.s32 $0xFFFFE003, lr  }
0x1b: {  	s9 =	sadd.s32 $0xFFFFFEF7, lr;
	s5 =	simm.s32 $0xFFFFFFFF;
	p2 =	slt.u32 s8, $0xFFFFF086  }
0x1c: {  	p1 =	slt.u32 s9, $0xF7A;
	s5 =	simm.s32 @!p2 $0x0  }
0x1d: {  	s5 =	simm.s32 @p1 $0x1;
	p0 =	seq.s32 s7, s2  }
0x1e: {  	s7 =	smul.u32 @!p0 $0xF7A, s2;
	p2 =	seq.s32 @!p0 s5, $0x0  }
0x1f: {  	s9 =	smul.u32 $0xF7A, s1;
	s8 =	simm.s32 @!p0 $0x1BF5;
	p2 =	por !p2, p0  }
0x20: {  	[sflag:s8] =	ssyncset.s32 @!p0 $0xFFFFF086;
	s6 =	sadd.s32 @!p0 s3, s7;
	s7 =	simm.s32 @!p0 $0x108  }
0x21: {  	s3 =	sadd.s32 s3, s9;
	s6 =	sadd.s32 @!p0 $0x88, s6;
	s7 =	simm.s32 @p2 $0x1082  }
0x22: {  	[simem:s7], [sflag:s8] =	dma.local @!p0 [hbm:s6], $0xF7A  }
0x23: {  	s9 =	sor.u32 $0xD0000000, s2;
	s6 =	simm.s32 $0x108;
	_ =	swait.ge @!p0 [sflag:s8], $0x0  }
0x24: {  	s3 =	sadd.s32 $0x88, s3;
	s6 =	simm.s32 @!p1 $0x1082;
	[sflag:s4] =	ssyncset.s32 $0xFFFFF086  }
0x25: {  	[simem:s6], [sflag:s4] =	dma.local [hbm:s3], $0xF7A  }
0x26: {  	[smem:$0x3F97] =	sst s1;
	(tag) =	ssettag s2;
	_ =	strace s9  }
0x27: {  	s1 =	sld [smem:$0x3FA7]  }
0x28: {  	s2 =	sld [smem:$0x3FA8]  }
0x29: {  	s4 =	sld [smem:$0x3FAA]  }
0x2a: {  	p0 =	seq.s32 s5, $0x0;
	s5 =	sld [smem:$0x3FAB]  }
0x2b: {  	s6 =	sld [smem:$0x3FAC]  }
0x2c: {  	s7 =	sld [smem:$0x3FAD]  }
0x2d: {  	s3 =	simm.s32 $0x108;
	s8 =	sld [smem:$0x3FAE]  }
0x2e: {  	s3 =	simm.s32 @!p0 $0x1082;
	s9 =	sld [smem:$0x3FAF]  }
0x2f: {  	lr =	sadd.s32 s0, s3;
	s0 =	sld [smem:$0x3FA6]  }
0x30: {  	s3 =	sld [smem:$0x3FA9]  }
0x31: {  	[smem:$0x3FB2] =	sst s10  }
0x32: {  	s10 =	sld [smem:$0x3FB0];
	_ =	sdelay $0x3  }
0x33: {  	p0 =	seq.s32 s10, $0x1;
	s10 =	sld [smem:$0x3FB2];
	_ =	sdelay $0x3  }
0x34: {  	[smem:$0x3FB2] =	sst s10  }
0x35: {  	s10 =	sld [smem:$0x3FB1];
	_ =	sdelay $0x3  }
0x36: {  	p1 =	seq.s32 s10, $0x1;
	s10 =	sld [smem:$0x3FB2];
	_ =	sdelay $0x3  }
0x37: {  	[smem:$0x3FB2] =	sst s10  }
0x38: {  	s10 =	sld [smem:$0x3FB3]  }
0x39: {  	_ = 	snop;
	(pc) =	sbr.ind lr, $3  }
0x3a: {  	_ = 	snop  }
0x3b: {  	_ = 	snop  }
0x3c: {  	p2 =	seq.s32 s10, $0x1;
	s10 =	sld [smem:$0x3FB2]  }
0x3d: {  	_ =	shalt  }
0x3e: {  	_ =	shalt  }
0x3f: {  	_ =	shalt  }
0x40: {  	_ =	shalt  }
0x41: {  	_ =	shalt  }
0x42: {  	_ =	shalt  }
0x43: {  	_ =	shalt  }
0x44: {  	_ =	shalt  }
0x45: {  	_ =	shalt  }
0x46: {  	_ =	shalt  }
0x47: {  	_ =	shalt  }
0x48: {  	_ =	shalt  }
0x49: {  	_ =	shalt  }
0x4a: {  	_ =	shalt  }
0x4b: {  	_ =	shalt  }
0x4c: {  	_ =	shalt  }
0x4d: {  	_ =	shalt  }
0x4e: {  	_ =	shalt  }
0x4f: {  	_ =	shalt  }
0x50: {  	_ =	shalt  }
0x51: {  	_ =	shalt  }
0x52: {  	_ =	shalt  }
0x53: {  	_ =	shalt  }
0x54: {  	_ =	shalt  }
0x55: {  	_ =	shalt  }
0x56: {  	_ =	shalt  }
0x57: {  	_ =	shalt  }
0x58: {  	_ =	shalt  }
0x59: {  	_ =	shalt  }
0x5a: {  	_ =	shalt  }
0x5b: {  	_ =	shalt  }
0x5c: {  	_ =	shalt  }
0x5d: {  	_ =	shalt  }
0x5e: {  	_ =	shalt  }
0x5f: {  	_ =	shalt  }
0x60: {  	_ =	shalt  }
0x61: {  	_ =	shalt  }
0x62: {  	_ =	shalt  }
0x63: {  	_ =	shalt  }
0x64: {  	_ =	shalt  }
0x65: {  	_ =	shalt  }
0x66: {  	_ =	shalt  }
0x67: {  	_ =	shalt  }
0x68: {  	_ =	shalt  }
0x69: {  	_ =	shalt  }
0x6a: {  	_ =	shalt  }
0x6b: {  	_ =	shalt  }
0x6c: {  	_ =	shalt  }
0x6d: {  	_ =	shalt  }
0x6e: {  	_ =	shalt  }
0x6f: {  	_ =	shalt  }
0x70: {  	_ =	shalt  }
0x71: {  	_ =	shalt  }
0x72: {  	_ =	shalt  }
0x73: {  	_ =	shalt  }
0x74: {  	_ =	shalt  }
0x75: {  	_ =	shalt  }
0x76: {  	_ =	shalt  }
0x77: {  	_ =	shalt  }
0x78: {  	_ =	shalt  }
0x79: {  	_ =	shalt  }
0x7a: {  	_ =	shalt  }
0x7b: {  	_ =	shalt  }
0x7c: {  	_ =	shalt  }
0x7d: {  	_ =	shalt  }
0x7e: {  	_ =	shalt  }
0x7f: {  	_ =	shalt  }
0x80: {  	_ =	shalt  }
0x81: {  	_ =	shalt  }
0x82: {  	_ =	shalt  }
0x83: {  	_ =	shalt  }
0x84: {  	_ =	shalt  }
0x85: {  	_ =	shalt  }
0x86: {  	_ =	shalt  }
0x87: {  	_ =	shalt  }
.Lfunc_end0:
.L_simem_size_0:
called_computation.1_lowered:
.L_overlay_start_0:
0x88: {  	s2 =	sld [smem:$0x3FD9]  }
0x89: {  	s3 =	sld [smem:$0x3FFE];
	_ =	sdelay $0x1  }
0x8a: {  	s1 =	srdreg.scid  }
0x8b: {  	s0 =	sand.u32 $0x1, s1  }
0x8c: {  	s17 =	sshll.u32 s0, $0xA;
	s2 =	sadd.s32 s3, s2  }
0x8d: {  	s2 =	sadd.s32 s2, s17  }
0x8e: {  	[smem:$0x3FBE] =	sst s2  }
0x8f: {  	_ = 	snop  }
0x90: {  	s2 =	sld [smem:$0x3FD0];
	(tm) =	ssettm $0x1  }
0x91: {  	s18 =	sld [smem:$0x3FFB];
	_ =	sdelay $0x3  }
0x92: {  	_ =	strace s18  }
0x93: {  	s3 =	sld [smem:$0x3FFC];
	_ =	sdelay $0x3  }
0x94: {  	_ =	strace s3  }
0x95: {  	s3 =	sld [smem:$0x3FFD];
	_ =	sdelay $0x3  }
0x96: {  	_ =	strace s3  }
0x97: {  	_ =	strace $0x8FFFFFFF  }
0x98: {  	s19 =	sld [smem:$0x3FDB];
	_ =	sdelay $0x1  }
0x99: {  	s4 =	simm.s32 $_scs_section_size  }
0x9a: {  	s5 =	simm.s32 $_size__tile_overlayer_lowered;
	s6 =	simm.s32 $_tile_overlayer_lowered  }
0x9b: {  	s22 =	simm.s32 $0x1BFF;
	s21 =	sshll.u32 s6, $0x1;
	s3 =	sadd.s32 s4, s19  }
0x9c: {  	s7 =	simm.s32 $0x0;
	s20 =	sshll.u32 s5, $0x1;
	s5 =	sadd.s32 s21, s3  }
0x9d: {  	[timem:s7], [sflag:s22] =	dma.local [hbm:s5], s20  }
0x9e: {  	_ =	swait.ge [sflag:s22], s20  }
0x9f: {  	s4 =	ssub.s32 $0x0, s20;
	[sflag:s22] =	ssyncset.done $0x0  }
0xa0: {  	[sflag:s22] =	ssyncadd.s32 s4;
	_ =	sdelay $0x1  }
0xa1: {  	s23 =	simm.s32 $0x1B8B  }
0xa2: {  	_ =	swait.ge [sflag:s23], $0x1  }
0xa3: {  	[sflag:s23] =	ssyncset.done $0x0  }
0xa4: {  	s25 =	simm.s32 $0x1B8E;
	s24 =	sld [smem:$0x3FFE];
	[sflag:s23] =	ssyncadd.s32 $0xFFFFFFFF  }
0xa5: {  	s26 =	simm.s32 $execute0_lowered;
	[smem:$0x3FD2] =	sst s25  }
0xa6: {  	s5 =	sshll.u32 s26, $0x1;
	_ =	strace $0x80000049;
	[dreg:$0x1] =	wrdreg $0xFFFFFFFF  }
0xa7: {  	s28 =	simm.s32 $_size_execute0_lowered;
	s3 =	sadd.s32 s3, s5;
	[dreg:$0x0] =	wrdreg $0x0  }
0xa8: {  	s5 =	sshll.u32 s28, $0x1;
	[dreg:$0x2] =	wrdreg s3  }
0xa9: {  	[dreg:$0x3] =	wrdreg s5  }
0xaa: {  	[dreg:$0x4] =	wrdreg $0xC0  }
0xab: {  	_ =	task [dreg:s7], $0x5FFFF  }
0xac: {  	[dreg:$0x1] =	wrdreg $0xFFFFFFFF  }
0xad: {  	[dreg:$0x0] =	wrdreg $0x60  }
0xae: {  	[dreg:$0x2] =	wrdreg s2  }
0xaf: {  	[dreg:$0x3] =	wrdreg s24  }
0xb0: {  	[dreg:$0x4] =	wrdreg $0x7B200  }
0xb1: {  	[dreg:$0x5] =	wrdreg $0x9  }
0xb2: {  	_ =	task.clear_ibuf [dreg:s7], $0x6FFFF;
	_ =	strace $0x90000049  }
0xb3: {  	s29 =	simm.s32 $0x9;
	_ =	strace $0x8000004B  }
0xb4: {  	_ =	swait.ge [sflag:s29], $0x1  }
0xb5: {  	[sflag:s29] =	ssyncadd.s32 $0xFFFFFFFF  }
0xb6: {  	_ =	strace $0x9000004B  }
0xb7: {  	_ =	sfence  }
0xb8: {  	s30 =	sld [smem:$0x0];
	_ =	sdelay $0x2  }
0xb9: {  	s31 =	sshll.u32 s1, $0xD;
	s1 =	sshrl.u32 s1, $0x2  }
0xba: {  	s3 =	sand.u32 $0x4000, s31;
	s1 =	sadd.s32 s1, s30  }
0xbb: {  	s0 =	sor.u32 s3, s0;
	s1 =	sshll.u32 s1, $0x11  }
0xbc: {  	s0 =	sor.u32 s1, s0  }
0xbd: {  	s0 =	sadd.s32 $0x8F2B, s0  }
0xbe: {  	[sflag:s0] =	ssyncadd.remote.s32 $0x1  }
0xbf: {  	_ =	sfence.sel $0xFFFF  }
0xc0: {  	[dreg:$0x0] =	wrdreg $0xFFFFFFFF;
	(pc) =	sbr.abs _section_cstart, $3  }
0xc1: {  	[dreg:$0x1] =	wrdreg $0xFFFFFFFF  }
0xc2: {  	_ =	task.clear_ibuf [dreg:s7], $0x2FFFF;
	_ =	strace $0x9FFFFFFF  }
0xc3: {  	(tm) =	ssettm $0x7FFFFFFF  }
tec
execute0_lowered:
.L_overlay_start_1:
0x0: {  	(tag) =	ssettag $0x1  }
0x1: {  	s2 =	rddreg [dreg:$0x0]  }
0x2: {  	s5 =	rddreg [dreg:$0x1]  }
0x3: {  	s3 =	rddreg [dreg:$0x2];
	s4 =	srdreg.scid  }
0x4: {  	s1 =	stileid.u32;
	s0 =	rddreg [dreg:$0x3];
	s11 =	simm.s32 $0x2  }
0x5: {  	s12 =	simm.s32 $0x2710;
	s13 =	simm.s32 $0x50;
	s14 =	simm.s32 $0x4E20  }
0x6: {  	s15 =	simm.s32 $0x1;
	s6 =	sand.u32 $0x1, s4;
	s7 =	smul.u32 $0x2800, s1  }
0x7: {  	s4 =	simm.s32 $0x0;
	s8 =	sshll.u32 s1, $0x1;
	s9 =	smul.u32 $0x28000, s6  }
0x8: {  	s16 =	simm.s32 $0x0;
	[smem:$0x7FF] =	sst s4;
	s8 =	sor.u32 s6, s8  }
0x9: {  	s6 =	ssub.s32 $0x2, s6;
	s8 =	smul.u32 $0x4E2, s8;
	s9 =	sadd.s32 s7, s9  }
0xa: {  	_ =	strace $0x8000004A;
	s10 =	sshrl.u32 s6, $0x1;
	s9 =	sshrl.u32 s9, $0x3  }
0xb: {  	s10 =	ssub.s32 s6, s10;
	s8 =	sadd.s32 s8, s5;
	s9 =	sadd.s32 s9, s5  }
0xc: {  	s5 =	sadd.s32 s7, s3;
	s6 =	sadd.s32 $0x2400, s8;
	s7 =	sadd.s32 $0xC200, s8  }
0xd: {  	v0 =	vimm.f32 $0.0e+00;
	s8 =	sadd.s32 $0x16000, s9;
	s9 =	smax.u32 s10, $0x1;
	s10 =	simm.s32 $0x5320  }
.LBB2_1:
0xe: {  	s17 =	simm.s32 $0x40;
	s18 =	simm.s32 $0x0  }
.LBB2_2:
0xf: {  	p0 =	sne.s32 s17, $0x9FC0;
	[tilespmem:s18+$0x5320] =	vst v0;
	s18 =	smov.u32 s17;
	s17 =	sadd.s32 $0x40, s17  }
.Ltmp0:
0x10: {  	(pc) =	sbr.rel @p0 .LBB2_2-.Ltmp0, $2  }
0x11: {  	_ =	sdelay $0x2  }
0x12: {  	s18 =	sshra.s32 s18, $0x2  }
0x13: {  	[tilespmem:s18+$0x5320] =	vst v0  }
0x14: {  	[spmem:s5] =	stream.linear.scatter [tilespmem:s10], [sflag:$0x2], $0x2800, $0x38;
	[tilespmem:$0xA320] =	vst v63  }
0x15: {  	_ =	swait.ge [sflag:s11], $0x2800  }
0x16: {  	[sflag:s11] =	ssyncset.done $0x0  }
0x17: {  	[sflag:s11] =	ssyncadd.s32 $0xFFFFD800  }
0x18: {  	s17 =	simm.s32 $0x0;
	[bflag:$0x0] =	sbarrier.arrive $0xFFFF  }
0x19: {  	[tilespmem:s17], [sflag:$0x2] =	stream.linear.gather [hbm4b:s6+s17], $0x2710, $0x38;
	[tilespmem:$0xA320] =	vst v63  }
0x1a: {  	_ =	swait.ge [sflag:s11], $0x2710  }
0x1b: {  	[sflag:s11] =	ssyncset.done $0x0  }
0x1c: {  	[sflag:s11] =	ssyncadd.s32 $0xFFFFD8F0  }
0x1d: {  	[tilespmem:s12], [sflag:$0x2] =	stream.linear.gather [hbm4b:s7+s17], $0x2710, $0x38;
	[tilespmem:$0xA320] =	vst v63  }
0x1e: {  	_ =	swait.ge [sflag:s11], $0x2710  }
0x1f: {  	[sflag:s11] =	ssyncset.done $0x0  }
0x20: {  	s30 =	simm.s32 $0x0;
	[sflag:s11] =	ssyncadd.s32 $0xFFFFD8F0  }
0x21: {  	[tilespmem:s14], [sflag:$0x1] =	stream.indirect.gather [hbm4b:s2+s13], $0x10, s30, s13, $0xb8;
	[tilespmem:$0xA320] =	vst v63  }
0x22: {  	_ =	swait.ge [sflag:s15], $0x500  }
0x23: {  	[sflag:s15] =	ssyncset.done $0x0  }
0x24: {  	s31 =	simm.s32 $0x2710;
	[sflag:s15] =	ssyncadd.s32 $0xFFFFFB00  }
0x25: {  	[spmem:s3] =	stream.indirect.scatter.add.f32 [tilespmem:s14], [sflag:$0x2], $0x10, s31, s13, $0xb8;
	[tilespmem:$0xA320] =	vst v63  }
0x26: {  	_ =	swait.ge [sflag:s11], $0x500  }
0x27: {  	s18 =	simm.s32 $0x280;
	s17 =	simm.s32 $0x140;
	[sflag:s11] =	ssyncset.done $0x0  }
.LBB2_4:
0x28: {  	s19 =	sshra.s32 s17, $0x2  }
0x29: {  	[sflag:s11] =	ssyncadd.s32 $0xFFFFFB00;
	s17 =	smov.u32 s18;
	s20 =	sadd.s32 $0x140, s18  }
0x2a: {  	[tilespmem:s14], [sflag:$0x1] =	stream.indirect.gather [hbm4b:s2+s13], $0x10, s19, s13, $0xb8;
	[tilespmem:$0xA320] =	vst v63  }
0x2b: {  	p0 =	sne.s32 s18, $0x9B00;
	_ =	swait.ge [sflag:s15], $0x500  }
.Ltmp1:
0x2c: {  	[sflag:s15] =	ssyncset.done $0x0;
	(pc) =	sbr.rel @p0 .LBB2_4-.Ltmp1, $4  }
0x2d: {  	s18 =	sadd.s32 $0x2710, s19;
	[sflag:s15] =	ssyncadd.s32 $0xFFFFFB00  }
0x2e: {  	[spmem:s3] =	stream.indirect.scatter.add.f32 [tilespmem:s14], [sflag:$0x2], $0x10, s18, s13, $0xb8;
	[tilespmem:$0xA320] =	vst v63  }
0x2f: {  	_ =	swait.ge [sflag:s11], $0x500  }
0x30: {  	s18 =	smov.u32 s20;
	[sflag:s11] =	ssyncset.done $0x0  }
0x31: {  	s17 =	sshra.s32 s17, $0x2;
	[sflag:s11] =	ssyncadd.s32 $0xFFFFFB00  }
0x32: {  	[tilespmem:s14], [sflag:$0x1] =	stream.indirect.gather [hbm4b:s2+s13], $0x10, s17, s13, $0xb8;
	[tilespmem:$0xA320] =	vst v63  }
0x33: {  	_ =	swait.ge [sflag:s15], $0x500  }
0x34: {  	[sflag:s15] =	ssyncset.done $0x0  }
0x35: {  	s17 =	sadd.s32 $0x2710, s17;
	[sflag:s15] =	ssyncadd.s32 $0xFFFFFB00  }
0x36: {  	[spmem:s3] =	stream.indirect.scatter.add.f32 [tilespmem:s14], [sflag:$0x2], $0x10, s17, s13, $0xb8;
	[tilespmem:$0xA320] =	vst v63  }
0x37: {  	_ =	swait.ge [sflag:s11], $0x500  }
0x38: {  	[sflag:s11] =	ssyncset.done $0x0  }
0x39: {  	[sflag:s11] =	ssyncadd.s32 $0xFFFFFB00  }
0x3a: {  	[bflag:$0x0] =	sbarrier.arrive $0xFFFF  }
0x3b: {  	[tilespmem:s10], [sflag:$0x2] =	stream.linear.gather [spmem:s5], $0x2800, $0x38;
	[tilespmem:$0xA320] =	vst v63  }
0x3c: {  	s16 =	sadd.s32 $0x1, s16;
	_ =	swait.ge [sflag:s11], $0x2800  }
0x3d: {  	p0 =	sne.s32 s16, s9;
	[sflag:s11] =	ssyncset.done $0x0  }
.Ltmp2:
0x3e: {  	[sflag:s11] =	ssyncadd.s32 $0xFFFFD800;
	(pc) =	sbr.rel @p0 .LBB2_1-.Ltmp2, $4  }
0x3f: {  	[hbm4b:s8+s4] =	stream.linear.scatter [tilespmem:s10], [sflag:$0x2], $0x2800, $0x38;
	[tilespmem:$0xA320] =	vst v63  }
0x40: {  	_ =	swait.ge [sflag:s11], $0x2800  }
0x41: {  	[sflag:s11] =	ssyncset.done $0x0  }
0x42: {  	[sflag:s11] =	ssyncadd.s32 $0xFFFFD800  }
0x43: {  	_ =	sfence.sel $0x180000  }
0x44: {  	[bflag:$0x0] =	sbarrier.arrive $0xFFFF  }
0x45: {  	p0 =	sne.s32 s1, $0x0;
	_ =	strace $0x9000004A  }
0x46: {  	s0 =	sadd.s32 @!p0 $0x100000, s0;
	[bflag:$0x2] =	sbarrier.arrive $0xFFFF  }
0x47: {  	[sflag:s0] =	ssyncadd.tile.s32 @!p0 $0x1;
	_ =	shalt  }
.Lfunc_end2:
_tile_overlayer_lowered:
.L_overlay_start_2:
0x48: {  	(tag) =	ssettag $0x2  }
0x49: {  	s0 =	rddreg [dreg:$0x0];
	s2 =	stileid.u32  }
0x4a: {  	s1 =	rddreg [dreg:$0x1];
	p0 =	sne.s32 s2, $0x0  }
0x4b: {  	s3 =	rddreg [dreg:$0x2];
	[bflag:$0x3] =	sbarrier.arrive $0xFFFF;
	s2 =	simm.s32 @!p0 $0x1C02  }
0x4c: {  	[timem:s3], [sflag:s2] =	dma.local @!p0 [hbm:s0], s1  }
0x4d: {  	s0 =	simm.s32 @!p0 $0x2  }
0x4e: {  	_ =	swait.ge @!p0 [sflag:s0], s1  }
0x4f: {  	s1 =	ssub.s32 @!p0 $0x0, s1;
	[sflag:s0] =	ssyncset.done @!p0 $0x0  }
0x50: {  	[sflag:s0] =	ssyncadd.s32 @!p0 s1  }
0x51: {  	[bflag:$0x3] =	sbarrier.arrive $0xFFFF  }
0x52: {  	_ =	shalt  }

// kernel: kernel.16.cloned.1.call-start
scs
__scs_entry_jumppad:
0x0: {  	(pc) =	sbr.rel $0x88, $3  }
0x1: {  	(tag) =	ssettag $0x0;
	lr =	simm.s32 $0x1  }
0x2: {  	[smem:$0x3F97] =	sst lr;
	_ =	strace $0xD0000000  }
0x3: {  	_ = 	snop  }
0x4: {  	_ = 	snop  }
0x5: {  	_ = 	snop  }
0x6: {  	_ = 	snop  }
0x7: {  	_ = 	snop  }
__scs_overlays_trampoline_lowered:
0x8: {  	[smem:$0x3FA6] =	sst s0  }
0x9: {  	[smem:$0x3FA7] =	sst s1  }
0xa: {  	[smem:$0x3FA8] =	sst s2  }
0xb: {  	[smem:$0x3FA9] =	sst s3  }
0xc: {  	[smem:$0x3FAA] =	sst s4  }
0xd: {  	[smem:$0x3FAB] =	sst s5  }
0xe: {  	[smem:$0x3FAC] =	sst s6  }
0xf: {  	[smem:$0x3FAD] =	sst s7  }
0x10: {  	[smem:$0x3FAE] =	sst s8  }
0x11: {  	[smem:$0x3FAF] =	sst s9;
	s0 =	simm.s32 @!p0 $0x0  }
0x12: {  	s1 =	sld [smem:$0x3F95];
	s0 =	simm.s32 @p0 $0x1  }
0x13: {  	[smem:$0x3FB0] =	sst s0;
	s0 =	simm.s32 @!p1 $0x0  }
0x14: {  	s2 =	sld [smem:$0x3F94];
	s0 =	simm.s32 @p1 $0x1  }
0x15: {  	[smem:$0x3FB1] =	sst s0;
	s0 =	simm.s32 @!p2 $0x0  }
0x16: {  	s3 =	sld [smem:$0x3FDB];
	s0 =	simm.s32 @p2 $0x1  }
0x17: {  	s4 =	simm.s32 $0x1BF5;
	[smem:$0x3FB3] =	sst s0  }
0x18: {  	s0 =	sld [smem:$0x3F96];
	_ =	swait.ge [sflag:s4], $0x0  }
0x19: {  	s7 =	sld [smem:$0x3F97]  }
0x1a: {  	s8 =	sadd.s32 $0xFFFFE003, lr  }
0x1b: {  	s9 =	sadd.s32 $0xFFFFFEF7, lr;
	s5 =	simm.s32 $0xFFFFFFFF;
	p2 =	slt.u32 s8, $0xFFFFF086  }
0x1c: {  	p1 =	slt.u32 s9, $0xF7A;
	s5 =	simm.s32 @!p2 $0x0  }
0x1d: {  	s5 =	simm.s32 @p1 $0x1;
	p0 =	seq.s32 s7, s2  }
0x1e: {  	s7 =	smul.u32 @!p0 $0xF7A, s2;
	p2 =	seq.s32 @!p0 s5, $0x0  }
0x1f: {  	s9 =	smul.u32 $0xF7A, s1;
	s8 =	simm.s32 @!p0 $0x1BF5;
	p2 =	por !p2, p0  }
0x20: {  	[sflag:s8] =	ssyncset.s32 @!p0 $0xFFFFF086;
	s6 =	sadd.s32 @!p0 s3, s7;
	s7 =	simm.s32 @!p0 $0x108  }
0x21: {  	s3 =	sadd.s32 s3, s9;
	s6 =	sadd.s32 @!p0 $0x88, s6;
	s7 =	simm.s32 @p2 $0x1082  }
0x22: {  	[simem:s7], [sflag:s8] =	dma.local @!p0 [hbm:s6], $0xF7A  }
0x23: {  	s9 =	sor.u32 $0xD0000000, s2;
	s6 =	simm.s32 $0x108;
	_ =	swait.ge @!p0 [sflag:s8], $0x0  }
0x24: {  	s3 =	sadd.s32 $0x88, s3;
	s6 =	simm.s32 @!p1 $0x1082;
	[sflag:s4] =	ssyncset.s32 $0xFFFFF086  }
0x25: {  	[simem:s6], [sflag:s4] =	dma.local [hbm:s3], $0xF7A  }
0x26: {  	[smem:$0x3F97] =	sst s1;
	(tag) =	ssettag s2;
	_ =	strace s9  }
0x27: {  	s1 =	sld [smem:$0x3FA7]  }
0x28: {  	s2 =	sld [smem:$0x3FA8]  }
0x29: {  	s4 =	sld [smem:$0x3FAA]  }
0x2a: {  	p0 =	seq.s32 s5, $0x0;
	s5 =	sld [smem:$0x3FAB]  }
0x2b: {  	s6 =	sld [smem:$0x3FAC]  }
0x2c: {  	s7 =	sld [smem:$0x3FAD]  }
0x2d: {  	s3 =	simm.s32 $0x108;
	s8 =	sld [smem:$0x3FAE]  }
0x2e: {  	s3 =	simm.s32 @!p0 $0x1082;
	s9 =	sld [smem:$0x3FAF]  }
0x2f: {  	lr =	sadd.s32 s0, s3;
	s0 =	sld [smem:$0x3FA6]  }
0x30: {  	s3 =	sld [smem:$0x3FA9]  }
0x31: {  	[smem:$0x3FB2] =	sst s10  }
0x32: {  	s10 =	sld [smem:$0x3FB0];
	_ =	sdelay $0x3  }
0x33: {  	p0 =	seq.s32 s10, $0x1;
	s10 =	sld [smem:$0x3FB2];
	_ =	sdelay $0x3  }
0x34: {  	[smem:$0x3FB2] =	sst s10  }
0x35: {  	s10 =	sld [smem:$0x3FB1];
	_ =	sdelay $0x3  }
0x36: {  	p1 =	seq.s32 s10, $0x1;
	s10 =	sld [smem:$0x3FB2];
	_ =	sdelay $0x3  }
0x37: {  	[smem:$0x3FB2] =	sst s10  }
0x38: {  	s10 =	sld [smem:$0x3FB3]  }
0x39: {  	_ = 	snop;
	(pc) =	sbr.ind lr, $3  }
0x3a: {  	_ = 	snop  }
0x3b: {  	_ = 	snop  }
0x3c: {  	p2 =	seq.s32 s10, $0x1;
	s10 =	sld [smem:$0x3FB2]  }
0x3d: {  	_ =	shalt  }
0x3e: {  	_ =	shalt  }
0x3f: {  	_ =	shalt  }
0x40: {  	_ =	shalt  }
0x41: {  	_ =	shalt  }
0x42: {  	_ =	shalt  }
0x43: {  	_ =	shalt  }
0x44: {  	_ =	shalt  }
0x45: {  	_ =	shalt  }
0x46: {  	_ =	shalt  }
0x47: {  	_ =	shalt  }
0x48: {  	_ =	shalt  }
0x49: {  	_ =	shalt  }
0x4a: {  	_ =	shalt  }
0x4b: {  	_ =	shalt  }
0x4c: {  	_ =	shalt  }
0x4d: {  	_ =	shalt  }
0x4e: {  	_ =	shalt  }
0x4f: {  	_ =	shalt  }
0x50: {  	_ =	shalt  }
0x51: {  	_ =	shalt  }
0x52: {  	_ =	shalt  }
0x53: {  	_ =	shalt  }
0x54: {  	_ =	shalt  }
0x55: {  	_ =	shalt  }
0x56: {  	_ =	shalt  }
0x57: {  	_ =	shalt  }
0x58: {  	_ =	shalt  }
0x59: {  	_ =	shalt  }
0x5a: {  	_ =	shalt  }
0x5b: {  	_ =	shalt  }
0x5c: {  	_ =	shalt  }
0x5d: {  	_ =	shalt  }
0x5e: {  	_ =	shalt  }
0x5f: {  	_ =	shalt  }
0x60: {  	_ =	shalt  }
0x61: {  	_ =	shalt  }
0x62: {  	_ =	shalt  }
0x63: {  	_ =	shalt  }
0x64: {  	_ =	shalt  }
0x65: {  	_ =	shalt  }
0x66: {  	_ =	shalt  }
0x67: {  	_ =	shalt  }
0x68: {  	_ =	shalt  }
0x69: {  	_ =	shalt  }
0x6a: {  	_ =	shalt  }
0x6b: {  	_ =	shalt  }
0x6c: {  	_ =	shalt  }
0x6d: {  	_ =	shalt  }
0x6e: {  	_ =	shalt  }
0x6f: {  	_ =	shalt  }
0x70: {  	_ =	shalt  }
0x71: {  	_ =	shalt  }
0x72: {  	_ =	shalt  }
0x73: {  	_ =	shalt  }
0x74: {  	_ =	shalt  }
0x75: {  	_ =	shalt  }
0x76: {  	_ =	shalt  }
0x77: {  	_ =	shalt  }
0x78: {  	_ =	shalt  }
0x79: {  	_ =	shalt  }
0x7a: {  	_ =	shalt  }
0x7b: {  	_ =	shalt  }
0x7c: {  	_ =	shalt  }
0x7d: {  	_ =	shalt  }
0x7e: {  	_ =	shalt  }
0x7f: {  	_ =	shalt  }
0x80: {  	_ =	shalt  }
0x81: {  	_ =	shalt  }
0x82: {  	_ =	shalt  }
0x83: {  	_ =	shalt  }
0x84: {  	_ =	shalt  }
0x85: {  	_ =	shalt  }
0x86: {  	_ =	shalt  }
0x87: {  	_ =	shalt  }
.Lfunc_end0:
.L_simem_size_0:
called_computation.2_lowered:
.L_overlay_start_0:
0x88: {  	s2 =	sld [smem:$0x3FD9]  }
0x89: {  	s3 =	sld [smem:$0x3FFE];
	_ =	sdelay $0x1  }
0x8a: {  	s1 =	srdreg.scid  }
0x8b: {  	s0 =	sand.u32 $0x1, s1  }
0x8c: {  	s17 =	sshll.u32 s0, $0xA;
	s2 =	sadd.s32 s3, s2  }
0x8d: {  	s2 =	sadd.s32 s2, s17  }
0x8e: {  	[smem:$0x3FBE] =	sst s2  }
0x8f: {  	_ = 	snop  }
0x90: {  	s2 =	sld [smem:$0x3FD0];
	(tm) =	ssettm $0x1  }
0x91: {  	s18 =	sld [smem:$0x3FFB];
	_ =	sdelay $0x3  }
0x92: {  	_ =	strace s18  }
0x93: {  	s3 =	sld [smem:$0x3FFC];
	_ =	sdelay $0x3  }
0x94: {  	_ =	strace s3  }
0x95: {  	s3 =	sld [smem:$0x3FFD];
	_ =	sdelay $0x3  }
0x96: {  	_ =	strace s3  }
0x97: {  	_ =	strace $0x8FFFFFFF  }
0x98: {  	s19 =	sld [smem:$0x3FDB];
	_ =	sdelay $0x1  }
0x99: {  	s4 =	simm.s32 $_scs_section_size  }
0x9a: {  	s5 =	simm.s32 $_size__tile_overlayer_lowered;
	s6 =	simm.s32 $_tile_overlayer_lowered  }
0x9b: {  	s22 =	simm.s32 $0x1BFF;
	s21 =	sshll.u32 s6, $0x1;
	s3 =	sadd.s32 s4, s19  }
0x9c: {  	s7 =	simm.s32 $0x0;
	s20 =	sshll.u32 s5, $0x1;
	s5 =	sadd.s32 s21, s3  }
0x9d: {  	[timem:s7], [sflag:s22] =	dma.local [hbm:s5], s20  }
0x9e: {  	_ =	swait.ge [sflag:s22], s20  }
0x9f: {  	s4 =	ssub.s32 $0x0, s20;
	[sflag:s22] =	ssyncset.done $0x0  }
0xa0: {  	[sflag:s22] =	ssyncadd.s32 s4;
	_ =	sdelay $0x1  }
0xa1: {  	s23 =	simm.s32 $0x1B8B  }
0xa2: {  	_ =	swait.ge [sflag:s23], $0x1  }
0xa3: {  	[sflag:s23] =	ssyncset.done $0x0  }
0xa4: {  	s25 =	simm.s32 $0x1B8E;
	s24 =	sld [smem:$0x3FFE];
	[sflag:s23] =	ssyncadd.s32 $0xFFFFFFFF  }
0xa5: {  	s26 =	simm.s32 $execute0_lowered;
	[smem:$0x3FD2] =	sst s25  }
0xa6: {  	s5 =	sshll.u32 s26, $0x1;
	_ =	strace $0x8000004C;
	[dreg:$0x1] =	wrdreg $0xFFFFFFFF  }
0xa7: {  	s28 =	simm.s32 $_size_execute0_lowered;
	s3 =	sadd.s32 s3, s5;
	[dreg:$0x0] =	wrdreg $0x0  }
0xa8: {  	s5 =	sshll.u32 s28, $0x1;
	[dreg:$0x2] =	wrdreg s3  }
0xa9: {  	[dreg:$0x3] =	wrdreg s5  }
0xaa: {  	[dreg:$0x4] =	wrdreg $0xC0  }
0xab: {  	_ =	task [dreg:s7], $0x5FFFF  }
0xac: {  	[dreg:$0x1] =	wrdreg $0xFFFFFFFF  }
0xad: {  	[dreg:$0x0] =	wrdreg $0x60  }
0xae: {  	[dreg:$0x2] =	wrdreg s2  }
0xaf: {  	[dreg:$0x3] =	wrdreg s24  }
0xb0: {  	[dreg:$0x4] =	wrdreg $0x7B200  }
0xb1: {  	[dreg:$0x5] =	wrdreg $0x9  }
0xb2: {  	_ =	task.clear_ibuf [dreg:s7], $0x6FFFF;
	_ =	strace $0x9000004C  }
0xb3: {  	s29 =	simm.s32 $0x9;
	_ =	strace $0x8000004E  }
0xb4: {  	_ =	swait.ge [sflag:s29], $0x1  }
0xb5: {  	[sflag:s29] =	ssyncadd.s32 $0xFFFFFFFF  }
0xb6: {  	_ =	strace $0x9000004E  }
0xb7: {  	_ =	sfence  }
0xb8: {  	s30 =	sld [smem:$0x0];
	_ =	sdelay $0x2  }
0xb9: {  	s31 =	sshll.u32 s1, $0xD;
	s1 =	sshrl.u32 s1, $0x2  }
0xba: {  	s3 =	sand.u32 $0x4000, s31;
	s1 =	sadd.s32 s1, s30  }
0xbb: {  	s0 =	sor.u32 s3, s0;
	s1 =	sshll.u32 s1, $0x11  }
0xbc: {  	s0 =	sor.u32 s1, s0  }
0xbd: {  	s0 =	sadd.s32 $0x8F2B, s0  }
0xbe: {  	[sflag:s0] =	ssyncadd.remote.s32 $0x1  }
0xbf: {  	_ =	sfence.sel $0xFFFF  }
0xc0: {  	[dreg:$0x0] =	wrdreg $0xFFFFFFFF;
	(pc) =	sbr.abs _section_cstart, $3  }
0xc1: {  	[dreg:$0x1] =	wrdreg $0xFFFFFFFF  }
0xc2: {  	_ =	task.clear_ibuf [dreg:s7], $0x2FFFF;
	_ =	strace $0x9FFFFFFF  }
0xc3: {  	(tm) =	ssettm $0x7FFFFFFF  }
tec
execute0_lowered:
.L_overlay_start_1:
0x0: {  	(tag) =	ssettag $0x1  }
0x1: {  	s2 =	rddreg [dreg:$0x0]  }
0x2: {  	s5 =	rddreg [dreg:$0x1]  }
0x3: {  	s3 =	rddreg [dreg:$0x2];
	s4 =	srdreg.scid  }
0x4: {  	s1 =	stileid.u32;
	s0 =	rddreg [dreg:$0x3];
	s11 =	simm.s32 $0x2  }
0x5: {  	s12 =	simm.s32 $0x2710;
	s13 =	simm.s32 $0x50;
	s14 =	simm.s32 $0x4E20  }
0x6: {  	s15 =	simm.s32 $0x1;
	s6 =	sand.u32 $0x1, s4;
	s7 =	smul.u32 $0x2800, s1  }
0x7: {  	s4 =	simm.s32 $0x0;
	s8 =	sshll.u32 s1, $0x1;
	s9 =	smul.u32 $0x28000, s6  }
0x8: {  	s16 =	simm.s32 $0x0;
	[smem:$0x7FF] =	sst s4;
	s8 =	sor.u32 s6, s8  }
0x9: {  	s6 =	ssub.s32 $0x2, s6;
	s8 =	smul.u32 $0x4E2, s8;
	s9 =	sadd.s32 s7, s9  }
0xa: {  	_ =	strace $0x8000004D;
	s10 =	sshrl.u32 s6, $0x1;
	s9 =	sshrl.u32 s9, $0x3  }
0xb: {  	s10 =	ssub.s32 s6, s10;
	s8 =	sadd.s32 s8, s5;
	s9 =	sadd.s32 s9, s5  }
0xc: {  	s5 =	sadd.s32 s7, s3;
	s6 =	sadd.s32 $0x2400, s8;
	s7 =	sadd.s32 $0xC200, s8  }
0xd: {  	v0 =	vimm.f32 $0.0e+00;
	s8 =	sadd.s32 $0x16000, s9;
	s9 =	smax.u32 s10, $0x1;
	s10 =	simm.s32 $0x5320  }
.LBB2_1:
0xe: {  	s17 =	simm.s32 $0x40;
	s18 =	simm.s32 $0x0  }
.LBB2_2:
0xf: {  	p0 =	sne.s32 s17, $0x9FC0;
	[tilespmem:s18+$0x5320] =	vst v0;
	s18 =	smov.u32 s17;
	s17 =	sadd.s32 $0x40, s17  }
.Ltmp0:
0x10: {  	(pc) =	sbr.rel @p0 .LBB2_2-.Ltmp0, $2  }
0x11: {  	_ =	sdelay $0x2  }
0x12: {  	s18 =	sshra.s32 s18, $0x2  }
0x13: {  	[tilespmem:s18+$0x5320] =	vst v0  }
0x14: {  	[spmem:s5] =	stream.linear.scatter [tilespmem:s10], [sflag:$0x2], $0x2800, $0x38;
	[tilespmem:$0xA320] =	vst v63  }
0x15: {  	_ =	swait.ge [sflag:s11], $0x2800  }
0x16: {  	[sflag:s11] =	ssyncset.done $0x0  }
0x17: {  	[sflag:s11] =	ssyncadd.s32 $0xFFFFD800  }
0x18: {  	s17 =	simm.s32 $0x0;
	[bflag:$0x0] =	sbarrier.arrive $0xFFFF  }
0x19: {  	[tilespmem:s17], [sflag:$0x2] =	stream.linear.gather [hbm4b:s6+s17], $0x2710, $0x38;
	[tilespmem:$0xA320] =	vst v63  }
0x1a: {  	_ =	swait.ge [sflag:s11], $0x2710  }
0x1b: {  	[sflag:s11] =	ssyncset.done $0x0  }
0x1c: {  	[sflag:s11] =	ssyncadd.s32 $0xFFFFD8F0  }
0x1d: {  	[tilespmem:s12], [sflag:$0x2] =	stream.linear.gather [hbm4b:s7+s17], $0x2710, $0x38;
	[tilespmem:$0xA320] =	vst v63  }
0x1e: {  	_ =	swait.ge [sflag:s11], $0x2710  }
0x1f: {  	[sflag:s11] =	ssyncset.done $0x0  }
0x20: {  	s30 =	simm.s32 $0x0;
	[sflag:s11] =	ssyncadd.s32 $0xFFFFD8F0  }
0x21: {  	[tilespmem:s14], [sflag:$0x1] =	stream.indirect.gather [hbm4b:s2+s13], $0x10, s30, s13, $0xb8;
	[tilespmem:$0xA320] =	vst v63  }
0x22: {  	_ =	swait.ge [sflag:s15], $0x500  }
0x23: {  	[sflag:s15] =	ssyncset.done $0x0  }
0x24: {  	s31 =	simm.s32 $0x2710;
	[sflag:s15] =	ssyncadd.s32 $0xFFFFFB00  }
0x25: {  	[spmem:s3] =	stream.indirect.scatter.add.f32 [tilespmem:s14], [sflag:$0x2], $0x10, s31, s13, $0xb8;
	[tilespmem:$0xA320] =	vst v63  }
0x26: {  	_ =	swait.ge [sflag:s11], $0x500  }
0x27: {  	s18 =	simm.s32 $0x280;
	s17 =	simm.s32 $0x140;
	[sflag:s11] =	ssyncset.done $0x0  }
.LBB2_4:
0x28: {  	s19 =	sshra.s32 s17, $0x2  }
0x29: {  	[sflag:s11] =	ssyncadd.s32 $0xFFFFFB00;
	s17 =	smov.u32 s18;
	s20 =	sadd.s32 $0x140, s18  }
0x2a: {  	[tilespmem:s14], [sflag:$0x1] =	stream.indirect.gather [hbm4b:s2+s13], $0x10, s19, s13, $0xb8;
	[tilespmem:$0xA320] =	vst v63  }
0x2b: {  	p0 =	sne.s32 s18, $0x9B00;
	_ =	swait.ge [sflag:s15], $0x500  }
.Ltmp1:
0x2c: {  	[sflag:s15] =	ssyncset.done $0x0;
	(pc) =	sbr.rel @p0 .LBB2_4-.Ltmp1, $4  }
0x2d: {  	s18 =	sadd.s32 $0x2710, s19;
	[sflag:s15] =	ssyncadd.s32 $0xFFFFFB00  }
0x2e: {  	[spmem:s3] =	stream.indirect.scatter.add.f32 [tilespmem:s14], [sflag:$0x2], $0x10, s18, s13, $0xb8;
	[tilespmem:$0xA320] =	vst v63  }
0x2f: {  	_ =	swait.ge [sflag:s11], $0x500  }
0x30: {  	s18 =	smov.u32 s20;
	[sflag:s11] =	ssyncset.done $0x0  }
0x31: {  	s17 =	sshra.s32 s17, $0x2;
	[sflag:s11] =	ssyncadd.s32 $0xFFFFFB00  }
0x32: {  	[tilespmem:s14], [sflag:$0x1] =	stream.indirect.gather [hbm4b:s2+s13], $0x10, s17, s13, $0xb8;
	[tilespmem:$0xA320] =	vst v63  }
0x33: {  	_ =	swait.ge [sflag:s15], $0x500  }
0x34: {  	[sflag:s15] =	ssyncset.done $0x0  }
0x35: {  	s17 =	sadd.s32 $0x2710, s17;
	[sflag:s15] =	ssyncadd.s32 $0xFFFFFB00  }
0x36: {  	[spmem:s3] =	stream.indirect.scatter.add.f32 [tilespmem:s14], [sflag:$0x2], $0x10, s17, s13, $0xb8;
	[tilespmem:$0xA320] =	vst v63  }
0x37: {  	_ =	swait.ge [sflag:s11], $0x500  }
0x38: {  	[sflag:s11] =	ssyncset.done $0x0  }
0x39: {  	[sflag:s11] =	ssyncadd.s32 $0xFFFFFB00  }
0x3a: {  	[bflag:$0x0] =	sbarrier.arrive $0xFFFF  }
0x3b: {  	[tilespmem:s10], [sflag:$0x2] =	stream.linear.gather [spmem:s5], $0x2800, $0x38;
	[tilespmem:$0xA320] =	vst v63  }
0x3c: {  	s16 =	sadd.s32 $0x1, s16;
	_ =	swait.ge [sflag:s11], $0x2800  }
0x3d: {  	p0 =	sne.s32 s16, s9;
	[sflag:s11] =	ssyncset.done $0x0  }
.Ltmp2:
0x3e: {  	[sflag:s11] =	ssyncadd.s32 $0xFFFFD800;
	(pc) =	sbr.rel @p0 .LBB2_1-.Ltmp2, $4  }
0x3f: {  	[hbm4b:s8+s4] =	stream.linear.scatter [tilespmem:s10], [sflag:$0x2], $0x2800, $0x38;
	[tilespmem:$0xA320] =	vst v63  }
0x40: {  	_ =	swait.ge [sflag:s11], $0x2800  }
0x41: {  	[sflag:s11] =	ssyncset.done $0x0  }
0x42: {  	[sflag:s11] =	ssyncadd.s32 $0xFFFFD800  }
0x43: {  	_ =	sfence.sel $0x180000  }
0x44: {  	[bflag:$0x0] =	sbarrier.arrive $0xFFFF  }
0x45: {  	p0 =	sne.s32 s1, $0x0;
	_ =	strace $0x9000004D  }
0x46: {  	s0 =	sadd.s32 @!p0 $0x100000, s0;
	[bflag:$0x2] =	sbarrier.arrive $0xFFFF  }
0x47: {  	[sflag:s0] =	ssyncadd.tile.s32 @!p0 $0x1;
	_ =	shalt  }
.Lfunc_end2:
_tile_overlayer_lowered:
.L_overlay_start_2:
0x48: {  	(tag) =	ssettag $0x2  }
0x49: {  	s0 =	rddreg [dreg:$0x0];
	s2 =	stileid.u32  }
0x4a: {  	s1 =	rddreg [dreg:$0x1];
	p0 =	sne.s32 s2, $0x0  }
0x4b: {  	s3 =	rddreg [dreg:$0x2];
	[bflag:$0x3] =	sbarrier.arrive $0xFFFF;
	s2 =	simm.s32 @!p0 $0x1C02  }
0x4c: {  	[timem:s3], [sflag:s2] =	dma.local @!p0 [hbm:s0], s1  }
0x4d: {  	s0 =	simm.s32 @!p0 $0x2  }
0x4e: {  	_ =	swait.ge @!p0 [sflag:s0], s1  }
0x4f: {  	s1 =	ssub.s32 @!p0 $0x0, s1;
	[sflag:s0] =	ssyncset.done @!p0 $0x0  }
0x50: {  	[sflag:s0] =	ssyncadd.s32 @!p0 s1  }
0x51: {  	[bflag:$0x3] =	sbarrier.arrive $0xFFFF  }
0x52: {  	_ =	shalt  }

// kernel: kernel.19.cloned.1.call-start
scs
__scs_entry_jumppad:
0x0: {  	(pc) =	sbr.rel $0x88, $3  }
0x1: {  	(tag) =	ssettag $0x0;
	lr =	simm.s32 $0x1  }
0x2: {  	[smem:$0x3F97] =	sst lr;
	_ =	strace $0xD0000000  }
0x3: {  	_ = 	snop  }
0x4: {  	_ = 	snop  }
0x5: {  	_ = 	snop  }
0x6: {  	_ = 	snop  }
0x7: {  	_ = 	snop  }
__scs_overlays_trampoline_lowered:
0x8: {  	[smem:$0x3FA6] =	sst s0  }
0x9: {  	[smem:$0x3FA7] =	sst s1  }
0xa: {  	[smem:$0x3FA8] =	sst s2  }
0xb: {  	[smem:$0x3FA9] =	sst s3  }
0xc: {  	[smem:$0x3FAA] =	sst s4  }
0xd: {  	[smem:$0x3FAB] =	sst s5  }
0xe: {  	[smem:$0x3FAC] =	sst s6  }
0xf: {  	[smem:$0x3FAD] =	sst s7  }
0x10: {  	[smem:$0x3FAE] =	sst s8  }
0x11: {  	[smem:$0x3FAF] =	sst s9;
	s0 =	simm.s32 @!p0 $0x0  }
0x12: {  	s1 =	sld [smem:$0x3F95];
	s0 =	simm.s32 @p0 $0x1  }
0x13: {  	[smem:$0x3FB0] =	sst s0;
	s0 =	simm.s32 @!p1 $0x0  }
0x14: {  	s2 =	sld [smem:$0x3F94];
	s0 =	simm.s32 @p1 $0x1  }
0x15: {  	[smem:$0x3FB1] =	sst s0;
	s0 =	simm.s32 @!p2 $0x0  }
0x16: {  	s3 =	sld [smem:$0x3FDB];
	s0 =	simm.s32 @p2 $0x1  }
0x17: {  	s4 =	simm.s32 $0x1BF5;
	[smem:$0x3FB3] =	sst s0  }
0x18: {  	s0 =	sld [smem:$0x3F96];
	_ =	swait.ge [sflag:s4], $0x0  }
0x19: {  	s7 =	sld [smem:$0x3F97]  }
0x1a: {  	s8 =	sadd.s32 $0xFFFFE003, lr  }
0x1b: {  	s9 =	sadd.s32 $0xFFFFFEF7, lr;
	s5 =	simm.s32 $0xFFFFFFFF;
	p2 =	slt.u32 s8, $0xFFFFF086  }
0x1c: {  	p1 =	slt.u32 s9, $0xF7A;
	s5 =	simm.s32 @!p2 $0x0  }
0x1d: {  	s5 =	simm.s32 @p1 $0x1;
	p0 =	seq.s32 s7, s2  }
0x1e: {  	s7 =	smul.u32 @!p0 $0xF7A, s2;
	p2 =	seq.s32 @!p0 s5, $0x0  }
0x1f: {  	s9 =	smul.u32 $0xF7A, s1;
	s8 =	simm.s32 @!p0 $0x1BF5;
	p2 =	por !p2, p0  }
0x20: {  	[sflag:s8] =	ssyncset.s32 @!p0 $0xFFFFF086;
	s6 =	sadd.s32 @!p0 s3, s7;
	s7 =	simm.s32 @!p0 $0x108  }
0x21: {  	s3 =	sadd.s32 s3, s9;
	s6 =	sadd.s32 @!p0 $0x88, s6;
	s7 =	simm.s32 @p2 $0x1082  }
0x22: {  	[simem:s7], [sflag:s8] =	dma.local @!p0 [hbm:s6], $0xF7A  }
0x23: {  	s9 =	sor.u32 $0xD0000000, s2;
	s6 =	simm.s32 $0x108;
	_ =	swait.ge @!p0 [sflag:s8], $0x0  }
0x24: {  	s3 =	sadd.s32 $0x88, s3;
	s6 =	simm.s32 @!p1 $0x1082;
	[sflag:s4] =	ssyncset.s32 $0xFFFFF086  }
0x25: {  	[simem:s6], [sflag:s4] =	dma.local [hbm:s3], $0xF7A  }
0x26: {  	[smem:$0x3F97] =	sst s1;
	(tag) =	ssettag s2;
	_ =	strace s9  }
0x27: {  	s1 =	sld [smem:$0x3FA7]  }
0x28: {  	s2 =	sld [smem:$0x3FA8]  }
0x29: {  	s4 =	sld [smem:$0x3FAA]  }
0x2a: {  	p0 =	seq.s32 s5, $0x0;
	s5 =	sld [smem:$0x3FAB]  }
0x2b: {  	s6 =	sld [smem:$0x3FAC]  }
0x2c: {  	s7 =	sld [smem:$0x3FAD]  }
0x2d: {  	s3 =	simm.s32 $0x108;
	s8 =	sld [smem:$0x3FAE]  }
0x2e: {  	s3 =	simm.s32 @!p0 $0x1082;
	s9 =	sld [smem:$0x3FAF]  }
0x2f: {  	lr =	sadd.s32 s0, s3;
	s0 =	sld [smem:$0x3FA6]  }
0x30: {  	s3 =	sld [smem:$0x3FA9]  }
0x31: {  	[smem:$0x3FB2] =	sst s10  }
0x32: {  	s10 =	sld [smem:$0x3FB0];
	_ =	sdelay $0x3  }
0x33: {  	p0 =	seq.s32 s10, $0x1;
	s10 =	sld [smem:$0x3FB2];
	_ =	sdelay $0x3  }
0x34: {  	[smem:$0x3FB2] =	sst s10  }
0x35: {  	s10 =	sld [smem:$0x3FB1];
	_ =	sdelay $0x3  }
0x36: {  	p1 =	seq.s32 s10, $0x1;
	s10 =	sld [smem:$0x3FB2];
	_ =	sdelay $0x3  }
0x37: {  	[smem:$0x3FB2] =	sst s10  }
0x38: {  	s10 =	sld [smem:$0x3FB3]  }
0x39: {  	_ = 	snop;
	(pc) =	sbr.ind lr, $3  }
0x3a: {  	_ = 	snop  }
0x3b: {  	_ = 	snop  }
0x3c: {  	p2 =	seq.s32 s10, $0x1;
	s10 =	sld [smem:$0x3FB2]  }
0x3d: {  	_ =	shalt  }
0x3e: {  	_ =	shalt  }
0x3f: {  	_ =	shalt  }
0x40: {  	_ =	shalt  }
0x41: {  	_ =	shalt  }
0x42: {  	_ =	shalt  }
0x43: {  	_ =	shalt  }
0x44: {  	_ =	shalt  }
0x45: {  	_ =	shalt  }
0x46: {  	_ =	shalt  }
0x47: {  	_ =	shalt  }
0x48: {  	_ =	shalt  }
0x49: {  	_ =	shalt  }
0x4a: {  	_ =	shalt  }
0x4b: {  	_ =	shalt  }
0x4c: {  	_ =	shalt  }
0x4d: {  	_ =	shalt  }
0x4e: {  	_ =	shalt  }
0x4f: {  	_ =	shalt  }
0x50: {  	_ =	shalt  }
0x51: {  	_ =	shalt  }
0x52: {  	_ =	shalt  }
0x53: {  	_ =	shalt  }
0x54: {  	_ =	shalt  }
0x55: {  	_ =	shalt  }
0x56: {  	_ =	shalt  }
0x57: {  	_ =	shalt  }
0x58: {  	_ =	shalt  }
0x59: {  	_ =	shalt  }
0x5a: {  	_ =	shalt  }
0x5b: {  	_ =	shalt  }
0x5c: {  	_ =	shalt  }
0x5d: {  	_ =	shalt  }
0x5e: {  	_ =	shalt  }
0x5f: {  	_ =	shalt  }
0x60: {  	_ =	shalt  }
0x61: {  	_ =	shalt  }
0x62: {  	_ =	shalt  }
0x63: {  	_ =	shalt  }
0x64: {  	_ =	shalt  }
0x65: {  	_ =	shalt  }
0x66: {  	_ =	shalt  }
0x67: {  	_ =	shalt  }
0x68: {  	_ =	shalt  }
0x69: {  	_ =	shalt  }
0x6a: {  	_ =	shalt  }
0x6b: {  	_ =	shalt  }
0x6c: {  	_ =	shalt  }
0x6d: {  	_ =	shalt  }
0x6e: {  	_ =	shalt  }
0x6f: {  	_ =	shalt  }
0x70: {  	_ =	shalt  }
0x71: {  	_ =	shalt  }
0x72: {  	_ =	shalt  }
0x73: {  	_ =	shalt  }
0x74: {  	_ =	shalt  }
0x75: {  	_ =	shalt  }
0x76: {  	_ =	shalt  }
0x77: {  	_ =	shalt  }
0x78: {  	_ =	shalt  }
0x79: {  	_ =	shalt  }
0x7a: {  	_ =	shalt  }
0x7b: {  	_ =	shalt  }
0x7c: {  	_ =	shalt  }
0x7d: {  	_ =	shalt  }
0x7e: {  	_ =	shalt  }
0x7f: {  	_ =	shalt  }
0x80: {  	_ =	shalt  }
0x81: {  	_ =	shalt  }
0x82: {  	_ =	shalt  }
0x83: {  	_ =	shalt  }
0x84: {  	_ =	shalt  }
0x85: {  	_ =	shalt  }
0x86: {  	_ =	shalt  }
0x87: {  	_ =	shalt  }
.Lfunc_end0:
.L_simem_size_0:
called_computation.3_lowered:
.L_overlay_start_0:
0x88: {  	s2 =	sld [smem:$0x3FD9]  }
0x89: {  	s3 =	sld [smem:$0x3FFE];
	_ =	sdelay $0x1  }
0x8a: {  	s1 =	srdreg.scid  }
0x8b: {  	s0 =	sand.u32 $0x1, s1  }
0x8c: {  	s17 =	sshll.u32 s0, $0xA;
	s2 =	sadd.s32 s3, s2  }
0x8d: {  	s2 =	sadd.s32 s2, s17  }
0x8e: {  	[smem:$0x3FBE] =	sst s2  }
0x8f: {  	_ = 	snop  }
0x90: {  	s2 =	sld [smem:$0x3FD0];
	(tm) =	ssettm $0x1  }
0x91: {  	s18 =	sld [smem:$0x3FFB];
	_ =	sdelay $0x3  }
0x92: {  	_ =	strace s18  }
0x93: {  	s3 =	sld [smem:$0x3FFC];
	_ =	sdelay $0x3  }
0x94: {  	_ =	strace s3  }
0x95: {  	s3 =	sld [smem:$0x3FFD];
	_ =	sdelay $0x3  }
0x96: {  	_ =	strace s3  }
0x97: {  	_ =	strace $0x8FFFFFFF  }
0x98: {  	s19 =	sld [smem:$0x3FDB];
	_ =	sdelay $0x1  }
0x99: {  	s4 =	simm.s32 $_scs_section_size  }
0x9a: {  	s5 =	simm.s32 $_size__tile_overlayer_lowered;
	s6 =	simm.s32 $_tile_overlayer_lowered  }
0x9b: {  	s22 =	simm.s32 $0x1BFF;
	s21 =	sshll.u32 s6, $0x1;
	s3 =	sadd.s32 s4, s19  }
0x9c: {  	s7 =	simm.s32 $0x0;
	s20 =	sshll.u32 s5, $0x1;
	s5 =	sadd.s32 s21, s3  }
0x9d: {  	[timem:s7], [sflag:s22] =	dma.local [hbm:s5], s20  }
0x9e: {  	_ =	swait.ge [sflag:s22], s20  }
0x9f: {  	s4 =	ssub.s32 $0x0, s20;
	[sflag:s22] =	ssyncset.done $0x0  }
0xa0: {  	[sflag:s22] =	ssyncadd.s32 s4;
	_ =	sdelay $0x1  }
0xa1: {  	s23 =	simm.s32 $0x1B8B  }
0xa2: {  	_ =	swait.ge [sflag:s23], $0x1  }
0xa3: {  	[sflag:s23] =	ssyncset.done $0x0  }
0xa4: {  	s25 =	simm.s32 $0x1B8E;
	s24 =	sld [smem:$0x3FFE];
	[sflag:s23] =	ssyncadd.s32 $0xFFFFFFFF  }
0xa5: {  	s26 =	simm.s32 $execute0_lowered;
	[smem:$0x3FD2] =	sst s25  }
0xa6: {  	s5 =	sshll.u32 s26, $0x1;
	_ =	strace $0x8000004F;
	[dreg:$0x1] =	wrdreg $0xFFFFFFFF  }
0xa7: {  	s28 =	simm.s32 $_size_execute0_lowered;
	s3 =	sadd.s32 s3, s5;
	[dreg:$0x0] =	wrdreg $0x0  }
0xa8: {  	s5 =	sshll.u32 s28, $0x1;
	[dreg:$0x2] =	wrdreg s3  }
0xa9: {  	[dreg:$0x3] =	wrdreg s5  }
0xaa: {  	[dreg:$0x4] =	wrdreg $0xC0  }
0xab: {  	_ =	task [dreg:s7], $0x5FFFF  }
0xac: {  	[dreg:$0x1] =	wrdreg $0xFFFFFFFF  }
0xad: {  	[dreg:$0x0] =	wrdreg $0x60  }
0xae: {  	[dreg:$0x2] =	wrdreg s24  }
0xaf: {  	[dreg:$0x3] =	wrdreg s2  }
0xb0: {  	[dreg:$0x4] =	wrdreg $0x9  }
0xb1: {  	_ =	task.clear_ibuf [dreg:s7], $0x5FFFF;
	_ =	strace $0x9000004F  }
0xb2: {  	s29 =	simm.s32 $0x9;
	_ =	strace $0x80000051  }
0xb3: {  	_ =	swait.ge [sflag:s29], $0x1  }
0xb4: {  	[sflag:s29] =	ssyncadd.s32 $0xFFFFFFFF  }
0xb5: {  	_ =	strace $0x90000051  }
0xb6: {  	_ =	sfence  }
0xb7: {  	s30 =	sld [smem:$0x0];
	_ =	sdelay $0x2  }
0xb8: {  	s31 =	sshll.u32 s1, $0xD;
	s1 =	sshrl.u32 s1, $0x2  }
0xb9: {  	s3 =	sand.u32 $0x4000, s31;
	s1 =	sadd.s32 s1, s30  }
0xba: {  	s0 =	sor.u32 s3, s0;
	s1 =	sshll.u32 s1, $0x11  }
0xbb: {  	s0 =	sor.u32 s1, s0  }
0xbc: {  	s0 =	sadd.s32 $0x8F2B, s0  }
0xbd: {  	[sflag:s0] =	ssyncadd.remote.s32 $0x1  }
0xbe: {  	_ =	sfence.sel $0xFFFF  }
0xbf: {  	[dreg:$0x0] =	wrdreg $0xFFFFFFFF;
	(pc) =	sbr.abs _section_cstart, $3  }
0xc0: {  	[dreg:$0x1] =	wrdreg $0xFFFFFFFF  }
0xc1: {  	_ =	task.clear_ibuf [dreg:s7], $0x2FFFF;
	_ =	strace $0x9FFFFFFF  }
0xc2: {  	(tm) =	ssettm $0x7FFFFFFF  }
0xc3: {  	_ =	shalt  }
tec
execute0_lowered:
.L_overlay_start_1:
0x0: {  	(tag) =	ssettag $0x1  }
0x1: {  	s7 =	rddreg [dreg:$0x0]  }
0x2: {  	s1 =	srdreg.scid;
	s0 =	stileid.u32  }
0x3: {  	s2 =	rddreg [dreg:$0x1];
	s3 =	simm.s32 $0x0;
	s10 =	simm.s32 $0x3  }
0x4: {  	s11 =	simm.s32 $0x2710;
	s12 =	simm.s32 $0x50;
	s13 =	simm.s32 $0x4E20  }
0x5: {  	s14 =	simm.s32 $0x5320;
	s6 =	sand.u32 $0x1, s1;
	s4 =	sshll.u32 s0, $0x1  }
0x6: {  	s15 =	simm.s32 $0x1;
	s16 =	simm.s32 $0x2;
	s4 =	sor.u32 s6, s4  }
0x7: {  	s17 =	simm.s32 $0x0;
	s1 =	rddreg [dreg:$0x2];
	s4 =	smul.u32 $0x2710, s4  }
0x8: {  	[smem:$0x7FF] =	sst s3;
	s5 =	sadd.s32 $0x16000, s7;
	s9 =	ssub.s32 $0x2, s6  }
0x9: {  	_ =	strace $0x80000050;
	s31 =	sshrl.u32 s9, $0x1;
	s8 =	sshrl.u32 s4, $0x3  }
0xa: {  	s6 =	sadd.s32 $0x1B000, s7;
	s9 =	ssub.s32 s9, s31;
	s8 =	sadd.s32 s8, s7  }
0xb: {  	s9 =	smax.u32 s9, $0x1;
	s7 =	sadd.s32 $0x2400, s8;
	s8 =	sadd.s32 $0xC200, s8  }
.LBB2_1:
0xc: {  	[tilespmem:s3], [sflag:$0x3] =	stream.linear.gather [hbm4b:s7+s3], $0x2710, $0x38;
	[tilespmem:$0x5820] =	vst v63  }
0xd: {  	_ =	swait.ge [sflag:s10], $0x2710  }
0xe: {  	[sflag:s10] =	ssyncset.done $0x0  }
0xf: {  	[sflag:s10] =	ssyncadd.s32 $0xFFFFD8F0  }
0x10: {  	[tilespmem:s11], [sflag:$0x3] =	stream.linear.gather [hbm4b:s8+s3], $0x2710, $0x38;
	[tilespmem:$0x5820] =	vst v63  }
0x11: {  	_ =	swait.ge [sflag:s10], $0x2710  }
0x12: {  	[sflag:s10] =	ssyncset.done $0x0  }
0x13: {  	s18 =	simm.s32 $0x0;
	[sflag:s10] =	ssyncadd.s32 $0xFFFFD8F0  }
.LBB2_2:
0x14: {  	s19 =	smul.u32 $0x50, s18;
	_ =	sdelay $0x1  }
0x15: {  	[tilespmem:s13], [sflag:$0x1] =	stream.indirect.gather [hbm4b:s5+s12], $0x10, s19, s12, $0xb8;
	[tilespmem:$0x5820] =	vst v63  }
0x16: {  	s20 =	sadd.s32 $0x2710, s19  }
0x17: {  	[tilespmem:s14], [sflag:$0x2] =	stream.indirect.gather [hbm4b:s6+s12], $0x10, s20, s12, $0xb8;
	[tilespmem:$0x5820] =	vst v63  }
0x18: {  	_ =	swait.ge [sflag:s15], $0x500  }
0x19: {  	[sflag:s15] =	ssyncset.done $0x0  }
0x1a: {  	[sflag:s15] =	ssyncadd.s32 $0xFFFFFB00  }
0x1b: {  	_ =	swait.ge [sflag:s16], $0x500  }
0x1c: {  	[sflag:s16] =	ssyncset.done $0x0  }
0x1d: {  	s20 =	simm.s32 $0x0;
	[sflag:s16] =	ssyncadd.s32 $0xFFFFFB00  }
0x1e: {  	s21 =	simm.s32 $0x40;
	v0 =	vld [tilespmem:s20+$0x5320]  }
.LBB2_3:
0x1f: {  	p0 =	sne.s32 s21, $0x13C0;
	v1 =	vld [tilespmem:s20+$0x4E20];
	_ =	sdelay $0x2  }
.Ltmp0:
0x20: {  	(pc) =	sbr.rel @p0 .LBB2_3-.Ltmp0, $4  }
0x21: {  	_ = 	snop  }
0x22: {  	v1 =	vadd.f32 v0, v1  }
0x23: {  	s22 =	sshra.s32 s21, $0x2  }
0x24: {  	s21 =	sadd.s32 $0x40, s21;
	v0 =	vld [tilespmem:s22+$0x5320];
	[tilespmem:s20+$0x4E20] =	vst v1;
	s20 =	smov.u32 s22  }
0x25: {  	v1 =	vld [tilespmem:s20+$0x4E20];
	_ =	sdelay $0x4  }
0x26: {  	s19 =	sadd.s32 s4, s19;
	s18 =	sadd.s32 $0x1, s18;
	v0 =	vadd.f32 v0, v1  }
0x27: {  	s19 =	sshll.u32 s19, $0x1;
	p0 =	sne.s32 s18, $0x7D  }
.Ltmp1:
0x28: {  	s19 =	sadd.s32 s2, s19;
	[tilespmem:s20+$0x4E20] =	vst v0;
	(pc) =	sbr.rel @p0 .LBB2_2-.Ltmp1, $4  }
0x29: {  	[hbm4b:s19+s3] =	stream.linear.scatter [tilespmem:s13], [sflag:$0x3], $0x500, $0x38;
	[tilespmem:$0x5820] =	vst v63  }
0x2a: {  	_ =	swait.ge [sflag:s10], $0x500  }
0x2b: {  	[sflag:s10] =	ssyncset.done $0x0  }
0x2c: {  	[sflag:s10] =	ssyncadd.s32 $0xFFFFFB00  }
0x2d: {  	s17 =	sadd.s32 $0x1, s17  }
0x2e: {  	p0 =	sne.s32 s17, s9  }
.Ltmp2:
0x2f: {  	_ = 	snop;
	(pc) =	sbr.rel @p0 .LBB2_1-.Ltmp2, $1  }
0x30: {  	_ =	sdelay $0x3  }
0x31: {  	_ =	sfence.sel $0x180000  }
0x32: {  	[bflag:$0x0] =	sbarrier.arrive $0xFFFF  }
0x33: {  	p0 =	sne.s32 s0, $0x0;
	_ =	strace $0x90000050  }
0x34: {  	s0 =	sadd.s32 @!p0 $0x100000, s1;
	[bflag:$0x2] =	sbarrier.arrive $0xFFFF  }
0x35: {  	[sflag:s0] =	ssyncadd.tile.s32 @!p0 $0x1;
	_ =	shalt  }
.Lfunc_end2:
_tile_overlayer_lowered:
.L_overlay_start_2:
0x36: {  	(tag) =	ssettag $0x2  }
0x37: {  	s0 =	rddreg [dreg:$0x0];
	s2 =	stileid.u32  }
0x38: {  	s1 =	rddreg [dreg:$0x1];
	p0 =	sne.s32 s2, $0x0  }
0x39: {  	s3 =	rddreg [dreg:$0x2];
	[bflag:$0x3] =	sbarrier.arrive $0xFFFF;
	s2 =	simm.s32 @!p0 $0x1C03  }
0x3a: {  	[timem:s3], [sflag:s2] =	dma.local @!p0 [hbm:s0], s1  }
0x3b: {  	s0 =	simm.s32 @!p0 $0x3  }
0x3c: {  	_ =	swait.ge @!p0 [sflag:s0], s1  }
0x3d: {  	s1 =	ssub.s32 @!p0 $0x0, s1;
	[sflag:s0] =	ssyncset.done @!p0 $0x0  }
0x3e: {  	[sflag:s0] =	ssyncadd.s32 @!p0 s1  }
0x3f: {  	[bflag:$0x3] =	sbarrier.arrive $0xFFFF  }
0x40: {  	_ =	shalt  }

</sc_bundles>
